<compile_context>
chip_gen: v7x
topology: tpu7x:2x2x1
jax: 0.10.2.dev20260603
libtpu: 0.0.44.dev20260713+nightly
codegen_flags: <defaults>
</compile_context>

<pallas_src>
import functools

import jax
import jax.numpy as jnp
from jax import lax
from jax.experimental import pallas as pl
from jax.experimental.pallas import tpu as pltpu
from jax.experimental.pallas import tpu_sc as plsc

_NC = 2
_NS = 16
_NW = _NC * _NS
_B = 128

_SC_PARAMS = pltpu.CompilerParams(use_tc_tiling_on_sc=False)


def _sc_mesh():
    return plsc.VectorSubcoreMesh(core_axis_name="c", subcore_axis_name="s",
                                  num_cores=_NC, num_subcores=_NS)


def _shard_indices(idx, pad_base, pad_count):
    e = idx.shape[0]
    epw = -(-e // _NW)
    if _NW * epw > e:
        tail = pad_base + (jnp.arange(_NW * epw - e, dtype=jnp.int32) % pad_count)
        idx = jnp.concatenate([idx, tail])
    idx2 = idx.reshape(_NW, epw)
    epw_pad = -(-epw // (2 * _B)) * (2 * _B)
    if epw_pad > epw:
        junk = pad_base + (jnp.arange(epw_pad - epw, dtype=jnp.int32) % pad_count)
        idx2 = jnp.concatenate([idx2, jnp.tile(junk[None], (_NW, 1))], axis=1)
    return idx2.reshape(_NW, epw_pad // _B, _B), epw


def _seg_sum_sc(table, src3, dst3, zeros_d):
    n, d = table.shape
    _, steps, b = src3.shape
    npt = n // _NS

    @functools.partial(
        pl.kernel,
        out_type=jax.ShapeDtypeStruct((_NC, n, d), jnp.float32),
        mesh=_sc_mesh(),
        scratch_types=[
            pltpu.VMEM((steps, b), jnp.int32),
            pltpu.VMEM((steps, b), jnp.int32),
            pltpu.VMEM((b, d), jnp.float32),
            pltpu.VMEM((b, d), jnp.float32),
            pltpu.VMEM_SHARED((n, d), jnp.float32),
            pltpu.SemaphoreType.DMA,
            pltpu.SemaphoreType.DMA,
        ],
        compiler_params=_SC_PARAMS,
    )
    def k(table_hbm, src_hbm, dst_hbm, zd_hbm, seg_out,
          isa, ida, buf0, buf1, tab_sh, g0, g1):
        cid = lax.axis_index("c")
        sid = lax.axis_index("s")
        wid = cid * _NS + sid
        r0 = sid * npt
        pltpu.sync_copy(zd_hbm.at[pl.ds(r0, npt)], tab_sh.at[pl.ds(r0, npt)])
        pltpu.sync_copy(src_hbm.at[wid], isa)
        pltpu.sync_copy(dst_hbm.at[wid], ida)
        plsc.subcore_barrier()

        pltpu.async_copy(table_hbm.at[isa.at[0]], buf0, g0)
        pltpu.async_copy(table_hbm.at[isa.at[1]], buf1, g1)

        def body(i, carry):
            j0 = 2 * i
            j1 = j0 + 1
            pltpu.make_async_copy(table_hbm.at[isa.at[j0]], buf0, g0).wait()
            pltpu.sync_copy(buf0, tab_sh.at[ida.at[j0]], add=True)

            @pl.when(j0 + 2 < steps)
            def _():
                pltpu.async_copy(table_hbm.at[isa.at[j0 + 2]], buf0, g0)

            pltpu.make_async_copy(table_hbm.at[isa.at[j1]], buf1, g1).wait()
            pltpu.sync_copy(buf1, tab_sh.at[ida.at[j1]], add=True)

            @pl.when(j1 + 2 < steps)
            def _():
                pltpu.async_copy(table_hbm.at[isa.at[j1 + 2]], buf1, g1)

            return carry

        lax.fori_loop(0, steps // 2, body, 0)
        plsc.subcore_barrier()
        pltpu.sync_copy(tab_sh.at[pl.ds(r0, npt)],
                        seg_out.at[cid, pl.ds(r0, npt)])

    return k(table, src3, dst3, zeros_d)


def _pair_gather_sc(z, u3, v3, pp):
    n, d = z.shape
    _, steps, b = u3.shape
    ppw = steps * b

    @functools.partial(
        pl.kernel,
        out_type=[jax.ShapeDtypeStruct((pp, d), jnp.bfloat16),
                  jax.ShapeDtypeStruct((pp, d), jnp.bfloat16)],
        mesh=_sc_mesh(),
        scratch_types=[
            pltpu.VMEM((steps, b), jnp.int32),
            pltpu.VMEM((steps, b), jnp.int32),
            pltpu.VMEM((b, d), jnp.bfloat16),
            pltpu.VMEM((b, d), jnp.bfloat16),
            pltpu.VMEM((b, d), jnp.bfloat16),
            pltpu.VMEM((b, d), jnp.bfloat16),
            pltpu.SemaphoreType.DMA,
            pltpu.SemaphoreType.DMA,
            pltpu.SemaphoreType.DMA,
            pltpu.SemaphoreType.DMA,
        ],
        compiler_params=_SC_PARAMS,
    )
    def k(z_hbm, u_hbm, v_hbm, zu_out, zv_out,
          iua, iva, ru0, ru1, rv0, rv1, gu0, gu1, gv0, gv1):
        cid = lax.axis_index("c")
        sid = lax.axis_index("s")
        wid = cid * _NS + sid
        base0 = wid * ppw
        pltpu.sync_copy(u_hbm.at[wid], iua)
        pltpu.sync_copy(v_hbm.at[wid], iva)

        pltpu.async_copy(z_hbm.at[iua.at[0]], ru0, gu0)
        pltpu.async_copy(z_hbm.at[iva.at[0]], rv0, gv0)
        pltpu.async_copy(z_hbm.at[iua.at[1]], ru1, gu1)
        pltpu.async_copy(z_hbm.at[iva.at[1]], rv1, gv1)

        def body(i, carry):
            j0 = 2 * i
            j1 = j0 + 1
            pltpu.make_async_copy(z_hbm.at[iua.at[j0]], ru0, gu0).wait()
            pltpu.sync_copy(ru0, zu_out.at[pl.ds(base0 + j0 * b, b)])
            pltpu.make_async_copy(z_hbm.at[iva.at[j0]], rv0, gv0).wait()
            pltpu.sync_copy(rv0, zv_out.at[pl.ds(base0 + j0 * b, b)])

            @pl.when(j0 + 2 < steps)
            def _():
                pltpu.async_copy(z_hbm.at[iua.at[j0 + 2]], ru0, gu0)
                pltpu.async_copy(z_hbm.at[iva.at[j0 + 2]], rv0, gv0)

            pltpu.make_async_copy(z_hbm.at[iua.at[j1]], ru1, gu1).wait()
            pltpu.sync_copy(ru1, zu_out.at[pl.ds(base0 + j1 * b, b)])
            pltpu.make_async_copy(z_hbm.at[iva.at[j1]], rv1, gv1).wait()
            pltpu.sync_copy(rv1, zv_out.at[pl.ds(base0 + j1 * b, b)])

            @pl.when(j1 + 2 < steps)
            def _():
                pltpu.async_copy(z_hbm.at[iua.at[j1 + 2]], ru1, gu1)
                pltpu.async_copy(z_hbm.at[iva.at[j1 + 2]], rv1, gv1)

            return carry

        lax.fori_loop(0, steps // 2, body, 0)

    return k(z, u3, v3)


def _encode_in(x, wcat):
    n = x.shape[0]
    h2 = wcat.shape[1]
    h = h2 // 2

    def body(x_ref, w_ref, xl_ref, xr_ref):
        xw = jnp.dot(x_ref[...], w_ref[...], preferred_element_type=jnp.float32)
        xl_ref[:, :h] = xw[:, :h]
        xl_ref[:, h:] = jnp.ones((n, 16), jnp.float32)
        xr_ref[...] = xw[:, h:]

    return pl.pallas_call(
        body,
        out_shape=[jax.ShapeDtypeStruct((n, h + 16), jnp.float32),
                   jax.ShapeDtypeStruct((n, h), jnp.float32)],
    )(x, wcat)


def _mid(seg1p, xr, b1r, wcat2):
    n, h = xr.shape
    o2 = wcat2.shape[1]
    o = o2 // 2

    def body(s_ref, xr_ref, b1_ref, w_ref, zl_ref, zr_ref, inv_ref):
        sp = s_ref[...]
        deg = sp[0, :, h:h + 1] + sp[1, :, h:h + 1]
        inv = 1.0 / jnp.maximum(deg, 1.0)
        seg = sp[0, :, :h] + sp[1, :, :h]
        z1 = jnp.maximum(seg * inv + b1_ref[...] + xr_ref[...], 0.0)
        zw = jnp.dot(z1, w_ref[...], preferred_element_type=jnp.float32)
        zl_ref[...] = zw[:, :o]
        zr_ref[...] = zw[:, o:]
        inv_ref[...] = inv

    return pl.pallas_call(
        body,
        out_shape=[jax.ShapeDtypeStruct((n, o), jnp.float32),
                   jax.ShapeDtypeStruct((n, o), jnp.float32),
                   jax.ShapeDtypeStruct((n, 1), jnp.float32)],
    )(seg1p, xr, b1r, wcat2)


def _final_nodes(seg2p, inv, zr, b2r):
    n, o = zr.shape

    def body(s_ref, i_ref, zr_ref, b2_ref, z_ref):
        sp = s_ref[...]
        zf = (sp[0] + sp[1]) * i_ref[...] + b2_ref[...] + zr_ref[...]
        z_ref[...] = zf.astype(jnp.bfloat16)

    return pl.pallas_call(
        body,
        out_shape=jax.ShapeDtypeStruct((n, o), jnp.bfloat16),
    )(seg2p, inv, zr, b2r)


def _mlp(zu, zv, pfp, w1s, wpf, b1m, w2t, b2m, w3p, b3p, bp=2048):
    pp, o = zu.shape
    pfd = pfp.shape[1]
    mh = w1s.shape[1]
    mh2 = w2t.shape[1]
    ow = w3p.shape[1]
    grid = pp // bp

    def body(zu_ref, zv_ref, pf_ref, w1_ref, wp_ref, b1_ref, w2_ref, b2_ref,
             w3_ref, b3_ref, out_ref):
        a = zu_ref[...].astype(jnp.float32)
        bv = zv_ref[...].astype(jnp.float32)
        ad = jnp.abs(a - bv)
        pr = a * bv
        h1 = (jnp.dot(a, w1_ref[0:o], preferred_element_type=jnp.float32)
              + jnp.dot(bv, w1_ref[o:2 * o], preferred_element_type=jnp.float32)
              + jnp.dot(ad, w1_ref[2 * o:3 * o], preferred_element_type=jnp.float32)
              + jnp.dot(pr, w1_ref[3 * o:4 * o], preferred_element_type=jnp.float32)
              + jnp.dot(pf_ref[...], wp_ref[...], preferred_element_type=jnp.float32)
              + b1_ref[...])
        h1 = jnp.maximum(h1, 0.0)
        h2 = jnp.maximum(jnp.dot(h1, w2_ref[...], preferred_element_type=jnp.float32)
                         + b2_ref[...], 0.0)
        out_ref[...] = jnp.dot(h2, w3_ref[...], preferred_element_type=jnp.float32) + b3_ref[...]

    return pl.pallas_call(
        body,
        grid=(grid,),
        in_specs=[
            pl.BlockSpec((bp, o), lambda i: (i, 0)),
            pl.BlockSpec((bp, o), lambda i: (i, 0)),
            pl.BlockSpec((bp, pfd), lambda i: (i, 0)),
            pl.BlockSpec((4 * o, mh), lambda i: (0, 0)),
            pl.BlockSpec((pfd, mh), lambda i: (0, 0)),
            pl.BlockSpec((1, mh), lambda i: (0, 0)),
            pl.BlockSpec((mh, mh2), lambda i: (0, 0)),
            pl.BlockSpec((1, mh2), lambda i: (0, 0)),
            pl.BlockSpec((mh2, ow), lambda i: (0, 0)),
            pl.BlockSpec((1, ow), lambda i: (0, 0)),
        ],
        out_specs=pl.BlockSpec((bp, ow), lambda i: (i, 0)),
        out_shape=jax.ShapeDtypeStruct((pp, ow), jnp.float32),
    )(zu, zv, pfp, w1s, wpf, b1m, w2t, b2m, w3p, b3p)


def kernel(x, edge_index, edge_label_index, pair_feats,
           Wl1, Wr1, b1, Wl2, Wr2, b2, Wm1, bm1, Wm2, bm2, Wm3, bm3):
    n = x.shape[0]
    e = edge_index.shape[1]
    p = edge_label_index.shape[1]
    h = Wl1.shape[0]
    o = Wl2.shape[0]
    mh = Wm1.shape[0]
    mh2 = Wm2.shape[0]
    pfd = pair_feats.shape[1]

    nunit = _NS * 8
    n_pad = ((n + nunit) // nunit) * nunit
    xp = jnp.pad(x, ((0, n_pad - n), (0, 0)))

    src3, _ = _shard_indices(edge_index[0], n, n_pad - n)
    dst3, _ = _shard_indices(edge_index[1], n, n_pad - n)

    wcat1 = jnp.concatenate([Wl1.T, Wr1.T], axis=1)
    xlaug, xr = _encode_in(xp, wcat1)

    zeros_h = jnp.zeros((n_pad, h + 16), jnp.float32)
    seg1p = _seg_sum_sc(xlaug, src3, dst3, zeros_h)

    wcat2 = jnp.concatenate([Wl2.T, Wr2.T], axis=1)
    zl, zr, inv = _mid(seg1p, xr, b1.reshape(1, h), wcat2)

    zeros_o = jnp.zeros((n_pad, o), jnp.float32)
    seg2p = _seg_sum_sc(zl, src3, dst3, zeros_o)

    z = _final_nodes(seg2p, inv, zr, b2.reshape(1, o))

    u3, ppw_real = _shard_indices(edge_label_index[0], 0, n)
    v3, _ = _shard_indices(edge_label_index[1], 0, n)
    steps_p = u3.shape[1]
    ppw_pad = steps_p * _B
    pp = _NW * ppw_pad
    zu, zv = _pair_gather_sc(z, u3, v3, pp)

    pfpad = 8
    pfw = jnp.pad(pair_feats, ((0, _NW * ppw_real - p), (0, pfpad - pfd)))
    pfw = pfw.reshape(_NW, ppw_real, pfpad)
    pfp = jnp.pad(pfw, ((0, 0), (0, ppw_pad - ppw_real), (0, 0)))
    pfp = pfp.reshape(pp, pfpad)
    w1s = Wm1.T[:4 * o]
    wpf = jnp.pad(Wm1.T[4 * o:], ((0, pfpad - pfd), (0, 0)))
    w3p = jnp.pad(Wm3.T, ((0, 0), (0, 7)))
    b3p = jnp.pad(bm3.reshape(1, 1), ((0, 0), (0, 7)))
    out8 = _mlp(zu, zv, pfp, w1s, wpf, bm1.reshape(1, mh), Wm2.T,
                bm2.reshape(1, mh2), w3p, b3p)
    out = out8[:, 0].reshape(_NW, ppw_pad)[:, :ppw_real].reshape(-1)
    return out[:p]

# --- scband reference (transcript-rebuilt; emitter-appended) ---
"""Pipeline reference for scband-graph-sagelink-predictor-266287972700 (READ-ONLY COPY).

The authoritative reference and input builder live on the scoring server;
editing this copy changes nothing except your own understanding.
"""

import jax, jax.numpy as jnp
import numpy as np

N = 10000
E = 320000
P = 100000
D_IN = 128
H = 64
OUT = 32
PF = 6
MLP_IN = OUT * 4 + PF
MLP_H = 64


def setup_inputs(seed: int = 0) -> dict:
    key = jax.random.key(seed)
    ks = jax.random.split(key, 20)
    x = jax.random.normal(ks[0], (N, D_IN), dtype=jnp.float32)
    edge_index = jax.random.randint(ks[1], (2, E), 0, N, dtype=jnp.int32)
    edge_label_index = jax.random.randint(ks[2], (2, P), 0, N, dtype=jnp.int32)
    pair_feats = jax.random.normal(ks[3], (P, PF), dtype=jnp.float32)
    # SAGEConv1 params (lin_l applied to aggregated neighbors, lin_r to root)
    Wl1 = jax.random.normal(ks[4], (H, D_IN), dtype=jnp.float32) * 0.05
    Wr1 = jax.random.normal(ks[5], (H, D_IN), dtype=jnp.float32) * 0.05
    b1 = jnp.zeros((H,), dtype=jnp.float32)
    # SAGEConv2 params
    Wl2 = jax.random.normal(ks[6], (OUT, H), dtype=jnp.float32) * 0.05
    Wr2 = jax.random.normal(ks[7], (OUT, H), dtype=jnp.float32) * 0.05
    b2 = jnp.zeros((OUT,), dtype=jnp.float32)
    # Decoder MLP params
    Wm1 = jax.random.normal(ks[8], (MLP_H, MLP_IN), dtype=jnp.float32) * 0.05
    bm1 = jnp.zeros((MLP_H,), dtype=jnp.float32)
    Wm2 = jax.random.normal(ks[9], (MLP_H // 2, MLP_H), dtype=jnp.float32) * 0.05
    bm2 = jnp.zeros((MLP_H // 2,), dtype=jnp.float32)
    Wm3 = jax.random.normal(ks[10], (1, MLP_H // 2), dtype=jnp.float32) * 0.05
    bm3 = jnp.zeros((1,), dtype=jnp.float32)
    return {"x": x, "edge_index": edge_index, "edge_label_index": edge_label_index,
            "pair_feats": pair_feats, "Wl1": Wl1, "Wr1": Wr1, "b1": b1,
            "Wl2": Wl2, "Wr2": Wr2, "b2": b2, "Wm1": Wm1, "bm1": bm1,
            "Wm2": Wm2, "bm2": bm2, "Wm3": Wm3, "bm3": bm3}


def _sage_conv(x, edge_index, Wl, Wr, b):
    src = edge_index[0]
    dst = edge_index[1]
    msgs = jnp.take(x, src, axis=0)
    agg = jax.ops.segment_sum(msgs, dst, num_segments=N)
    deg = jax.ops.segment_sum(jnp.ones((edge_index.shape[1],), dtype=x.dtype), dst, num_segments=N)
    agg = agg / jnp.clip(deg, 1.0, None)[:, None]
    return agg @ Wl.T + b + x @ Wr.T


def reference(x, edge_index, edge_label_index, pair_feats,
              Wl1, Wr1, b1, Wl2, Wr2, b2, Wm1, bm1, Wm2, bm2, Wm3, bm3):
    # Encoder (eval mode: dropout is identity)
    z = _sage_conv(x, edge_index, Wl1, Wr1, b1)
    z = jax.nn.relu(z)
    z = _sage_conv(z, edge_index, Wl2, Wr2, b2)
    # Decoder
    z_u = jnp.take(z, edge_label_index[0], axis=0)
    z_v = jnp.take(z, edge_label_index[1], axis=0)
    feat = jnp.concatenate([z_u, z_v, jnp.abs(z_u - z_v), z_u * z_v, pair_feats], axis=1)
    h = jax.nn.relu(feat @ Wm1.T + bm1)
    h = jax.nn.relu(h @ Wm2.T + bm2)
    out = h @ Wm3.T + bm3
    return out.reshape(-1)

if __name__ == "__main__":
    import jax
    _d = setup_inputs()
    print(jax.jit(kernel)(*tuple(_d.values())))

</pallas_src>

<mosaic_0001>
#map = affine_map<(d0, d1) -> (0, 0)>
#map1 = affine_map<(d0, d1) -> (0, 0, 0)>
module attributes {stable_mosaic.version = 14 : i64} {
  func.func @k(%arg0: i32, %arg1: i32, %arg2: memref<10112x32xbf16, #tpu.memory_space<hbm>>, %arg3: memref<32x26x128xi32, #tpu.memory_space<hbm>>, %arg4: memref<32x26x128xi32, #tpu.memory_space<hbm>>, %arg5: memref<106496x32xbf16, #tpu.memory_space<hbm>>, %arg6: memref<106496x32xbf16, #tpu.memory_space<hbm>>, %arg7: memref<26x128xi32, #tpu.memory_space<vmem>>, %arg8: memref<26x128xi32, #tpu.memory_space<vmem>>, %arg9: memref<128x32xbf16, #tpu.memory_space<vmem>>, %arg10: memref<128x32xbf16, #tpu.memory_space<vmem>>, %arg11: memref<128x32xbf16, #tpu.memory_space<vmem>>, %arg12: memref<128x32xbf16, #tpu.memory_space<vmem>>, %arg13: memref<!tpu.dma_semaphore, #tpu.memory_space<semaphore_mem>>, %arg14: memref<!tpu.dma_semaphore, #tpu.memory_space<semaphore_mem>>, %arg15: memref<!tpu.dma_semaphore, #tpu.memory_space<semaphore_mem>>, %arg16: memref<!tpu.dma_semaphore, #tpu.memory_space<semaphore_mem>>) attributes {dimension_semantics = [#tpu.dimension_semantics<core_parallel>, #tpu.dimension_semantics<subcore_parallel>], iteration_bounds = array<i64: 2, 16>, scalar_prefetch = 0 : i64, scratch_operands = 10 : i64, tpu.core_type = #tpu.core_type<sc_vector_subcore>, window_params = [{transform_indices = #map}, {transform_indices = #map1}, {transform_indices = #map1}, {transform_indices = #map}, {transform_indices = #map}]} {
    %mul3A = arith.constant 16 : i32
    %mul3A_0 = arith.muli %arg0, %mul3A : i32
    %add3A = arith.addi %mul3A_0, %arg1 : i32
    %mul3A_1 = arith.constant 3328 : i32
    %mul3A_2 = arith.muli %add3A, %mul3A_1 : i32
    "tpu.region"() ({
      %run_scoped3A = tpu.sem_alloc : memref<!tpu.dma_semaphore, #tpu.memory_space<semaphore_mem>>
      %dma_start3A_35 = arith.constant 0 : i32
      %dma_start3A_36 = arith.constant 0 : i32
      %dma_start3A_37 = tpu.memref_slice %arg3[%add3A, %dma_start3A_35, %dma_start3A_36] : memref<32x26x128xi32, #tpu.memory_space<hbm>> -> memref<1x26x128xi32, #tpu.memory_space<hbm>>
      %dma_start3A_38 = tpu.memref_squeeze %dma_start3A_37 : memref<1x26x128xi32, #tpu.memory_space<hbm>> -> memref<26x128xi32, #tpu.memory_space<hbm>>
      %dma_start3A_39 = arith.constant 0 : i32
      %dma_start3A_40 = arith.constant 0 : i32
      %dma_start3A_41 = tpu.memref_slice %arg3[%add3A, %dma_start3A_39, %dma_start3A_40] : memref<32x26x128xi32, #tpu.memory_space<hbm>> -> memref<1x26x128xi32, #tpu.memory_space<hbm>>
      %dma_start3A_42 = tpu.memref_squeeze %dma_start3A_41 : memref<1x26x128xi32, #tpu.memory_space<hbm>> -> memref<26x128xi32, #tpu.memory_space<hbm>>
      tpu.enqueue_dma source(%dma_start3A_42 : memref<26x128xi32, #tpu.memory_space<hbm>>) target(%arg7 : memref<26x128xi32, #tpu.memory_space<vmem>>) target_semaphore(%run_scoped3A : memref<!tpu.dma_semaphore, #tpu.memory_space<semaphore_mem>>)
      %dma_wait3A = arith.constant 0 : i32
      %dma_wait3A_43 = arith.constant 0 : i32
      %dma_wait3A_44 = tpu.memref_slice %arg3[%add3A, %dma_wait3A, %dma_wait3A_43] : memref<32x26x128xi32, #tpu.memory_space<hbm>> -> memref<1x26x128xi32, #tpu.memory_space<hbm>>
      %dma_wait3A_45 = tpu.memref_squeeze %dma_wait3A_44 : memref<1x26x128xi32, #tpu.memory_space<hbm>> -> memref<26x128xi32, #tpu.memory_space<hbm>>
      %dma_wait3A_46 = arith.constant 0 : i32
      %dma_wait3A_47 = arith.constant 0 : i32
      %dma_wait3A_48 = tpu.memref_slice %arg3[%add3A, %dma_wait3A_46, %dma_wait3A_47] : memref<32x26x128xi32, #tpu.memory_space<hbm>> -> memref<1x26x128xi32, #tpu.memory_space<hbm>>
      %dma_wait3A_49 = tpu.memref_squeeze %dma_wait3A_48 : memref<1x26x128xi32, #tpu.memory_space<hbm>> -> memref<26x128xi32, #tpu.memory_space<hbm>>
      tpu.wait_dma2 semaphore(%run_scoped3A : memref<!tpu.dma_semaphore, #tpu.memory_space<semaphore_mem>>) src(%dma_wait3A_49 : memref<26x128xi32, #tpu.memory_space<hbm>>) dst(%arg7 : memref<26x128xi32, #tpu.memory_space<vmem>>)
      tpu.yield
    }) : () -> ()
    "tpu.region"() ({
      %run_scoped3A = tpu.sem_alloc : memref<!tpu.dma_semaphore, #tpu.memory_space<semaphore_mem>>
      %dma_start3A_35 = arith.constant 0 : i32
      %dma_start3A_36 = arith.constant 0 : i32
      %dma_start3A_37 = tpu.memref_slice %arg4[%add3A, %dma_start3A_35, %dma_start3A_36] : memref<32x26x128xi32, #tpu.memory_space<hbm>> -> memref<1x26x128xi32, #tpu.memory_space<hbm>>
      %dma_start3A_38 = tpu.memref_squeeze %dma_start3A_37 : memref<1x26x128xi32, #tpu.memory_space<hbm>> -> memref<26x128xi32, #tpu.memory_space<hbm>>
      %dma_start3A_39 = arith.constant 0 : i32
      %dma_start3A_40 = arith.constant 0 : i32
      %dma_start3A_41 = tpu.memref_slice %arg4[%add3A, %dma_start3A_39, %dma_start3A_40] : memref<32x26x128xi32, #tpu.memory_space<hbm>> -> memref<1x26x128xi32, #tpu.memory_space<hbm>>
      %dma_start3A_42 = tpu.memref_squeeze %dma_start3A_41 : memref<1x26x128xi32, #tpu.memory_space<hbm>> -> memref<26x128xi32, #tpu.memory_space<hbm>>
      tpu.enqueue_dma source(%dma_start3A_42 : memref<26x128xi32, #tpu.memory_space<hbm>>) target(%arg8 : memref<26x128xi32, #tpu.memory_space<vmem>>) target_semaphore(%run_scoped3A : memref<!tpu.dma_semaphore, #tpu.memory_space<semaphore_mem>>)
      %dma_wait3A = arith.constant 0 : i32
      %dma_wait3A_43 = arith.constant 0 : i32
      %dma_wait3A_44 = tpu.memref_slice %arg4[%add3A, %dma_wait3A, %dma_wait3A_43] : memref<32x26x128xi32, #tpu.memory_space<hbm>> -> memref<1x26x128xi32, #tpu.memory_space<hbm>>
      %dma_wait3A_45 = tpu.memref_squeeze %dma_wait3A_44 : memref<1x26x128xi32, #tpu.memory_space<hbm>> -> memref<26x128xi32, #tpu.memory_space<hbm>>
      %dma_wait3A_46 = arith.constant 0 : i32
      %dma_wait3A_47 = arith.constant 0 : i32
      %dma_wait3A_48 = tpu.memref_slice %arg4[%add3A, %dma_wait3A_46, %dma_wait3A_47] : memref<32x26x128xi32, #tpu.memory_space<hbm>> -> memref<1x26x128xi32, #tpu.memory_space<hbm>>
      %dma_wait3A_49 = tpu.memref_squeeze %dma_wait3A_48 : memref<1x26x128xi32, #tpu.memory_space<hbm>> -> memref<26x128xi32, #tpu.memory_space<hbm>>
      tpu.wait_dma2 semaphore(%run_scoped3A : memref<!tpu.dma_semaphore, #tpu.memory_space<semaphore_mem>>) src(%dma_wait3A_49 : memref<26x128xi32, #tpu.memory_space<hbm>>) dst(%arg8 : memref<26x128xi32, #tpu.memory_space<vmem>>)
      tpu.yield
    }) : () -> ()
    %dma_start3A = arith.constant 0 : i32
    %dma_start3A_3 = arith.constant 0 : i32
    %dma_start3A_4 = tpu.memref_slice %arg7[%dma_start3A, %dma_start3A_3] : memref<26x128xi32, #tpu.memory_space<vmem>> -> memref<1x128xi32, #tpu.memory_space<vmem>>
    %dma_start3A_5 = tpu.memref_squeeze %dma_start3A_4 : memref<1x128xi32, #tpu.memory_space<vmem>> -> memref<128xi32, #tpu.memory_space<vmem>>
    %dma_start3A_6 = arith.constant 0 : i32
    %dma_start3A_7 = arith.constant 0 : i32
    %dma_start3A_8 = tpu.memref_slice %arg2[%dma_start3A_6, %dma_start3A_7] : memref<10112x32xbf16, #tpu.memory_space<hbm>> -> memref<10112x32xbf16, #tpu.memory_space<hbm>>
    tpu.enqueue_indirect_dma source(%dma_start3A_8 : memref<10112x32xbf16, #tpu.memory_space<hbm>>) target(%arg9 : memref<128x32xbf16, #tpu.memory_space<vmem>>) offsets(%dma_start3A_5 : memref<128xi32, #tpu.memory_space<vmem>>) semaphore(%arg13 : memref<!tpu.dma_semaphore, #tpu.memory_space<semaphore_mem>>)
    %dma_start3A_9 = arith.constant 0 : i32
    %dma_start3A_10 = arith.constant 0 : i32
    %dma_start3A_11 = tpu.memref_slice %arg8[%dma_start3A_9, %dma_start3A_10] : memref<26x128xi32, #tpu.memory_space<vmem>> -> memref<1x128xi32, #tpu.memory_space<vmem>>
    %dma_start3A_12 = tpu.memref_squeeze %dma_start3A_11 : memref<1x128xi32, #tpu.memory_space<vmem>> -> memref<128xi32, #tpu.memory_space<vmem>>
    %dma_start3A_13 = arith.constant 0 : i32
    %dma_start3A_14 = arith.constant 0 : i32
    %dma_start3A_15 = tpu.memref_slice %arg2[%dma_start3A_13, %dma_start3A_14] : memref<10112x32xbf16, #tpu.memory_space<hbm>> -> memref<10112x32xbf16, #tpu.memory_space<hbm>>
    tpu.enqueue_indirect_dma source(%dma_start3A_15 : memref<10112x32xbf16, #tpu.memory_space<hbm>>) target(%arg11 : memref<128x32xbf16, #tpu.memory_space<vmem>>) offsets(%dma_start3A_12 : memref<128xi32, #tpu.memory_space<vmem>>) semaphore(%arg15 : memref<!tpu.dma_semaphore, #tpu.memory_space<semaphore_mem>>)
    %dma_start3A_16 = arith.constant 1 : i32
    %dma_start3A_17 = arith.constant 0 : i32
    %dma_start3A_18 = tpu.memref_slice %arg7[%dma_start3A_16, %dma_start3A_17] : memref<26x128xi32, #tpu.memory_space<vmem>> -> memref<1x128xi32, #tpu.memory_space<vmem>>
    %dma_start3A_19 = tpu.memref_squeeze %dma_start3A_18 : memref<1x128xi32, #tpu.memory_space<vmem>> -> memref<128xi32, #tpu.memory_space<vmem>>
    %dma_start3A_20 = arith.constant 0 : i32
    %dma_start3A_21 = arith.constant 0 : i32
    %dma_start3A_22 = tpu.memref_slice %arg2[%dma_start3A_20, %dma_start3A_21] : memref<10112x32xbf16, #tpu.memory_space<hbm>> -> memref<10112x32xbf16, #tpu.memory_space<hbm>>
    tpu.enqueue_indirect_dma source(%dma_start3A_22 : memref<10112x32xbf16, #tpu.memory_space<hbm>>) target(%arg10 : memref<128x32xbf16, #tpu.memory_space<vmem>>) offsets(%dma_start3A_19 : memref<128xi32, #tpu.memory_space<vmem>>) semaphore(%arg14 : memref<!tpu.dma_semaphore, #tpu.memory_space<semaphore_mem>>)
    %dma_start3A_23 = arith.constant 1 : i32
    %dma_start3A_24 = arith.constant 0 : i32
    %dma_start3A_25 = tpu.memref_slice %arg8[%dma_start3A_23, %dma_start3A_24] : memref<26x128xi32, #tpu.memory_space<vmem>> -> memref<1x128xi32, #tpu.memory_space<vmem>>
    %dma_start3A_26 = tpu.memref_squeeze %dma_start3A_25 : memref<1x128xi32, #tpu.memory_space<vmem>> -> memref<128xi32, #tpu.memory_space<vmem>>
    %dma_start3A_27 = arith.constant 0 : i32
    %dma_start3A_28 = arith.constant 0 : i32
    %dma_start3A_29 = tpu.memref_slice %arg2[%dma_start3A_27, %dma_start3A_28] : memref<10112x32xbf16, #tpu.memory_space<hbm>> -> memref<10112x32xbf16, #tpu.memory_space<hbm>>
    tpu.enqueue_indirect_dma source(%dma_start3A_29 : memref<10112x32xbf16, #tpu.memory_space<hbm>>) target(%arg12 : memref<128x32xbf16, #tpu.memory_space<vmem>>) offsets(%dma_start3A_26 : memref<128xi32, #tpu.memory_space<vmem>>) semaphore(%arg16 : memref<!tpu.dma_semaphore, #tpu.memory_space<semaphore_mem>>)
    %scan3A = arith.constant 0 : i32
    %scan3A_30 = arith.constant 0 : i32
    %scan3A_31 = arith.constant 13 : i32
    %scan3A_32 = arith.addi %scan3A_30, %scan3A_31 : i32
    %scan3A_33 = arith.constant 1 : i32
    scf.for %scan3A_35 = %scan3A_30 to %scan3A_32 step %scan3A_33  : i32 {
      %mul3A_36 = arith.constant 2 : i32
      %mul3A_37 = arith.muli %mul3A_36, %scan3A_35 : i32
      %add3A_38 = arith.constant 1 : i32
      %add3A_39 = arith.addi %mul3A_37, %add3A_38 : i32
      %dma_wait3A = arith.constant 0 : i32
      %dma_wait3A_40 = tpu.memref_slice %arg7[%mul3A_37, %dma_wait3A] : memref<26x128xi32, #tpu.memory_space<vmem>> -> memref<1x128xi32, #tpu.memory_space<vmem>>
      %dma_wait3A_41 = tpu.memref_squeeze %dma_wait3A_40 : memref<1x128xi32, #tpu.memory_space<vmem>> -> memref<128xi32, #tpu.memory_space<vmem>>
      %dma_wait3A_42 = arith.constant 0 : i32
      %dma_wait3A_43 = arith.constant 0 : i32
      %dma_wait3A_44 = tpu.memref_slice %arg2[%dma_wait3A_42, %dma_wait3A_43] : memref<10112x32xbf16, #tpu.memory_space<hbm>> -> memref<10112x32xbf16, #tpu.memory_space<hbm>>
      tpu.wait_indirect_dma semaphore(%arg13 : memref<!tpu.dma_semaphore, #tpu.memory_space<semaphore_mem>>) src(%dma_wait3A_44 : memref<10112x32xbf16, #tpu.memory_space<hbm>>) dst(%arg9 : memref<128x32xbf16, #tpu.memory_space<vmem>>)
      %mul3A_45 = arith.constant 128 : i32
      %mul3A_46 = arith.muli %mul3A_37, %mul3A_45 : i32
      %add3A_47 = arith.addi %mul3A_2, %mul3A_46 : i32
      "tpu.region"() ({
        %run_scoped3A = tpu.sem_alloc : memref<!tpu.dma_semaphore, #tpu.memory_space<semaphore_mem>>
        %dma_start3A_86 = arith.constant 0 : i32
        %dma_start3A_87 = tpu.memref_slice %arg5[%add3A_47, %dma_start3A_86] : memref<106496x32xbf16, #tpu.memory_space<hbm>> -> memref<128x32xbf16, #tpu.memory_space<hbm>>
        %dma_start3A_88 = arith.constant 0 : i32
        %dma_start3A_89 = tpu.memref_slice %arg5[%add3A_47, %dma_start3A_88] : memref<106496x32xbf16, #tpu.memory_space<hbm>> -> memref<128x32xbf16, #tpu.memory_space<hbm>>
        tpu.enqueue_dma source(%arg9 : memref<128x32xbf16, #tpu.memory_space<vmem>>) target(%dma_start3A_89 : memref<128x32xbf16, #tpu.memory_space<hbm>>) target_semaphore(%run_scoped3A : memref<!tpu.dma_semaphore, #tpu.memory_space<semaphore_mem>>)
        %dma_wait3A_90 = arith.constant 0 : i32
        %dma_wait3A_91 = tpu.memref_slice %arg5[%add3A_47, %dma_wait3A_90] : memref<106496x32xbf16, #tpu.memory_space<hbm>> -> memref<128x32xbf16, #tpu.memory_space<hbm>>
        %dma_wait3A_92 = arith.constant 0 : i32
        %dma_wait3A_93 = tpu.memref_slice %arg5[%add3A_47, %dma_wait3A_92] : memref<106496x32xbf16, #tpu.memory_space<hbm>> -> memref<128x32xbf16, #tpu.memory_space<hbm>>
        tpu.wait_dma2 semaphore(%run_scoped3A : memref<!tpu.dma_semaphore, #tpu.memory_space<semaphore_mem>>) src(%arg9 : memref<128x32xbf16, #tpu.memory_space<vmem>>) dst(%dma_wait3A_93 : memref<128x32xbf16, #tpu.memory_space<hbm>>)
        tpu.yield
      }) : () -> ()
      %dma_wait3A_48 = arith.constant 0 : i32
      %dma_wait3A_49 = tpu.memref_slice %arg8[%mul3A_37, %dma_wait3A_48] : memref<26x128xi32, #tpu.memory_space<vmem>> -> memref<1x128xi32, #tpu.memory_space<vmem>>
      %dma_wait3A_50 = tpu.memref_squeeze %dma_wait3A_49 : memref<1x128xi32, #tpu.memory_space<vmem>> -> memref<128xi32, #tpu.memory_space<vmem>>
      %dma_wait3A_51 = arith.constant 0 : i32
      %dma_wait3A_52 = arith.constant 0 : i32
      %dma_wait3A_53 = tpu.memref_slice %arg2[%dma_wait3A_51, %dma_wait3A_52] : memref<10112x32xbf16, #tpu.memory_space<hbm>> -> memref<10112x32xbf16, #tpu.memory_space<hbm>>
      tpu.wait_indirect_dma semaphore(%arg15 : memref<!tpu.dma_semaphore, #tpu.memory_space<semaphore_mem>>) src(%dma_wait3A_53 : memref<10112x32xbf16, #tpu.memory_space<hbm>>) dst(%arg11 : memref<128x32xbf16, #tpu.memory_space<vmem>>)
      %mul3A_54 = arith.constant 128 : i32
      %mul3A_55 = arith.muli %mul3A_37, %mul3A_54 : i32
      %add3A_56 = arith.addi %mul3A_2, %mul3A_55 : i32
      "tpu.region"() ({
        %run_scoped3A = tpu.sem_alloc : memref<!tpu.dma_semaphore, #tpu.memory_space<semaphore_mem>>
        %dma_start3A_86 = arith.constant 0 : i32
        %dma_start3A_87 = tpu.memref_slice %arg6[%add3A_56, %dma_start3A_86] : memref<106496x32xbf16, #tpu.memory_space<hbm>> -> memref<128x32xbf16, #tpu.memory_space<hbm>>
        %dma_start3A_88 = arith.constant 0 : i32
        %dma_start3A_89 = tpu.memref_slice %arg6[%add3A_56, %dma_start3A_88] : memref<106496x32xbf16, #tpu.memory_space<hbm>> -> memref<128x32xbf16, #tpu.memory_space<hbm>>
        tpu.enqueue_dma source(%arg11 : memref<128x32xbf16, #tpu.memory_space<vmem>>) target(%dma_start3A_89 : memref<128x32xbf16, #tpu.memory_space<hbm>>) target_semaphore(%run_scoped3A : memref<!tpu.dma_semaphore, #tpu.memory_space<semaphore_mem>>)
        %dma_wait3A_90 = arith.constant 0 : i32
        %dma_wait3A_91 = tpu.memref_slice %arg6[%add3A_56, %dma_wait3A_90] : memref<106496x32xbf16, #tpu.memory_space<hbm>> -> memref<128x32xbf16, #tpu.memory_space<hbm>>
        %dma_wait3A_92 = arith.constant 0 : i32
        %dma_wait3A_93 = tpu.memref_slice %arg6[%add3A_56, %dma_wait3A_92] : memref<106496x32xbf16, #tpu.memory_space<hbm>> -> memref<128x32xbf16, #tpu.memory_space<hbm>>
        tpu.wait_dma2 semaphore(%run_scoped3A : memref<!tpu.dma_semaphore, #tpu.memory_space<semaphore_mem>>) src(%arg11 : memref<128x32xbf16, #tpu.memory_space<vmem>>) dst(%dma_wait3A_93 : memref<128x32xbf16, #tpu.memory_space<hbm>>)
        tpu.yield
      }) : () -> ()
      %add3A_57 = arith.constant 2 : i32
      %add3A_58 = arith.addi %mul3A_37, %add3A_57 : i32
      %lt3A = arith.constant 26 : i32
      %lt3A_59 = arith.cmpi slt, %add3A_58, %lt3A : i32
      %convert_element_type3A = arith.extui %lt3A_59 : i1 to i32
      %cond3A = arith.constant 0 : i32
      %cond3A_60 = arith.cmpi ne, %convert_element_type3A, %cond3A : i32
      scf.if %cond3A_60 {
        %add3A_86 = arith.constant 2 : i32
        %add3A_87 = arith.addi %mul3A_37, %add3A_86 : i32
        %dma_start3A_88 = arith.constant 0 : i32
        %dma_start3A_89 = tpu.memref_slice %arg7[%add3A_87, %dma_start3A_88] : memref<26x128xi32, #tpu.memory_space<vmem>> -> memref<1x128xi32, #tpu.memory_space<vmem>>
        %dma_start3A_90 = tpu.memref_squeeze %dma_start3A_89 : memref<1x128xi32, #tpu.memory_space<vmem>> -> memref<128xi32, #tpu.memory_space<vmem>>
        %dma_start3A_91 = arith.constant 0 : i32
        %dma_start3A_92 = arith.constant 0 : i32
        %dma_start3A_93 = tpu.memref_slice %arg2[%dma_start3A_91, %dma_start3A_92] : memref<10112x32xbf16, #tpu.memory_space<hbm>> -> memref<10112x32xbf16, #tpu.memory_space<hbm>>
        tpu.enqueue_indirect_dma source(%dma_start3A_93 : memref<10112x32xbf16, #tpu.memory_space<hbm>>) target(%arg9 : memref<128x32xbf16, #tpu.memory_space<vmem>>) offsets(%dma_start3A_90 : memref<128xi32, #tpu.memory_space<vmem>>) semaphore(%arg13 : memref<!tpu.dma_semaphore, #tpu.memory_space<semaphore_mem>>)
        %add3A_94 = arith.constant 2 : i32
        %add3A_95 = arith.addi %mul3A_37, %add3A_94 : i32
        %dma_start3A_96 = arith.constant 0 : i32
        %dma_start3A_97 = tpu.memref_slice %arg8[%add3A_95, %dma_start3A_96] : memref<26x128xi32, #tpu.memory_space<vmem>> -> memref<1x128xi32, #tpu.memory_space<vmem>>
        %dma_start3A_98 = tpu.memref_squeeze %dma_start3A_97 : memref<1x128xi32, #tpu.memory_space<vmem>> -> memref<128xi32, #tpu.memory_space<vmem>>
        %dma_start3A_99 = arith.constant 0 : i32
        %dma_start3A_100 = arith.constant 0 : i32
        %dma_start3A_101 = tpu.memref_slice %arg2[%dma_start3A_99, %dma_start3A_100] : memref<10112x32xbf16, #tpu.memory_space<hbm>> -> memref<10112x32xbf16, #tpu.memory_space<hbm>>
        tpu.enqueue_indirect_dma source(%dma_start3A_101 : memref<10112x32xbf16, #tpu.memory_space<hbm>>) target(%arg11 : memref<128x32xbf16, #tpu.memory_space<vmem>>) offsets(%dma_start3A_98 : memref<128xi32, #tpu.memory_space<vmem>>) semaphore(%arg15 : memref<!tpu.dma_semaphore, #tpu.memory_space<semaphore_mem>>)
      } else {
      }
      %dma_wait3A_61 = arith.constant 0 : i32
      %dma_wait3A_62 = tpu.memref_slice %arg7[%add3A_39, %dma_wait3A_61] : memref<26x128xi32, #tpu.memory_space<vmem>> -> memref<1x128xi32, #tpu.memory_space<vmem>>
      %dma_wait3A_63 = tpu.memref_squeeze %dma_wait3A_62 : memref<1x128xi32, #tpu.memory_space<vmem>> -> memref<128xi32, #tpu.memory_space<vmem>>
      %dma_wait3A_64 = arith.constant 0 : i32
      %dma_wait3A_65 = arith.constant 0 : i32
      %dma_wait3A_66 = tpu.memref_slice %arg2[%dma_wait3A_64, %dma_wait3A_65] : memref<10112x32xbf16, #tpu.memory_space<hbm>> -> memref<10112x32xbf16, #tpu.memory_space<hbm>>
      tpu.wait_indirect_dma semaphore(%arg14 : memref<!tpu.dma_semaphore, #tpu.memory_space<semaphore_mem>>) src(%dma_wait3A_66 : memref<10112x32xbf16, #tpu.memory_space<hbm>>) dst(%arg10 : memref<128x32xbf16, #tpu.memory_space<vmem>>)
      %mul3A_67 = arith.constant 128 : i32
      %mul3A_68 = arith.muli %add3A_39, %mul3A_67 : i32
      %add3A_69 = arith.addi %mul3A_2, %mul3A_68 : i32
      "tpu.region"() ({
        %run_scoped3A = tpu.sem_alloc : memref<!tpu.dma_semaphore, #tpu.memory_space<semaphore_mem>>
        %dma_start3A_86 = arith.constant 0 : i32
        %dma_start3A_87 = tpu.memref_slice %arg5[%add3A_69, %dma_start3A_86] : memref<106496x32xbf16, #tpu.memory_space<hbm>> -> memref<128x32xbf16, #tpu.memory_space<hbm>>
        %dma_start3A_88 = arith.constant 0 : i32
        %dma_start3A_89 = tpu.memref_slice %arg5[%add3A_69, %dma_start3A_88] : memref<106496x32xbf16, #tpu.memory_space<hbm>> -> memref<128x32xbf16, #tpu.memory_space<hbm>>
        tpu.enqueue_dma source(%arg10 : memref<128x32xbf16, #tpu.memory_space<vmem>>) target(%dma_start3A_89 : memref<128x32xbf16, #tpu.memory_space<hbm>>) target_semaphore(%run_scoped3A : memref<!tpu.dma_semaphore, #tpu.memory_space<semaphore_mem>>)
        %dma_wait3A_90 = arith.constant 0 : i32
        %dma_wait3A_91 = tpu.memref_slice %arg5[%add3A_69, %dma_wait3A_90] : memref<106496x32xbf16, #tpu.memory_space<hbm>> -> memref<128x32xbf16, #tpu.memory_space<hbm>>
        %dma_wait3A_92 = arith.constant 0 : i32
        %dma_wait3A_93 = tpu.memref_slice %arg5[%add3A_69, %dma_wait3A_92] : memref<106496x32xbf16, #tpu.memory_space<hbm>> -> memref<128x32xbf16, #tpu.memory_space<hbm>>
        tpu.wait_dma2 semaphore(%run_scoped3A : memref<!tpu.dma_semaphore, #tpu.memory_space<semaphore_mem>>) src(%arg10 : memref<128x32xbf16, #tpu.memory_space<vmem>>) dst(%dma_wait3A_93 : memref<128x32xbf16, #tpu.memory_space<hbm>>)
        tpu.yield
      }) : () -> ()
      %dma_wait3A_70 = arith.constant 0 : i32
      %dma_wait3A_71 = tpu.memref_slice %arg8[%add3A_39, %dma_wait3A_70] : memref<26x128xi32, #tpu.memory_space<vmem>> -> memref<1x128xi32, #tpu.memory_space<vmem>>
      %dma_wait3A_72 = tpu.memref_squeeze %dma_wait3A_71 : memref<1x128xi32, #tpu.memory_space<vmem>> -> memref<128xi32, #tpu.memory_space<vmem>>
      %dma_wait3A_73 = arith.constant 0 : i32
      %dma_wait3A_74 = arith.constant 0 : i32
      %dma_wait3A_75 = tpu.memref_slice %arg2[%dma_wait3A_73, %dma_wait3A_74] : memref<10112x32xbf16, #tpu.memory_space<hbm>> -> memref<10112x32xbf16, #tpu.memory_space<hbm>>
      tpu.wait_indirect_dma semaphore(%arg16 : memref<!tpu.dma_semaphore, #tpu.memory_space<semaphore_mem>>) src(%dma_wait3A_75 : memref<10112x32xbf16, #tpu.memory_space<hbm>>) dst(%arg12 : memref<128x32xbf16, #tpu.memory_space<vmem>>)
      %mul3A_76 = arith.constant 128 : i32
      %mul3A_77 = arith.muli %add3A_39, %mul3A_76 : i32
      %add3A_78 = arith.addi %mul3A_2, %mul3A_77 : i32
      "tpu.region"() ({
        %run_scoped3A = tpu.sem_alloc : memref<!tpu.dma_semaphore, #tpu.memory_space<semaphore_mem>>
        %dma_start3A_86 = arith.constant 0 : i32
        %dma_start3A_87 = tpu.memref_slice %arg6[%add3A_78, %dma_start3A_86] : memref<106496x32xbf16, #tpu.memory_space<hbm>> -> memref<128x32xbf16, #tpu.memory_space<hbm>>
        %dma_start3A_88 = arith.constant 0 : i32
        %dma_start3A_89 = tpu.memref_slice %arg6[%add3A_78, %dma_start3A_88] : memref<106496x32xbf16, #tpu.memory_space<hbm>> -> memref<128x32xbf16, #tpu.memory_space<hbm>>
        tpu.enqueue_dma source(%arg12 : memref<128x32xbf16, #tpu.memory_space<vmem>>) target(%dma_start3A_89 : memref<128x32xbf16, #tpu.memory_space<hbm>>) target_semaphore(%run_scoped3A : memref<!tpu.dma_semaphore, #tpu.memory_space<semaphore_mem>>)
        %dma_wait3A_90 = arith.constant 0 : i32
        %dma_wait3A_91 = tpu.memref_slice %arg6[%add3A_78, %dma_wait3A_90] : memref<106496x32xbf16, #tpu.memory_space<hbm>> -> memref<128x32xbf16, #tpu.memory_space<hbm>>
        %dma_wait3A_92 = arith.constant 0 : i32
        %dma_wait3A_93 = tpu.memref_slice %arg6[%add3A_78, %dma_wait3A_92] : memref<106496x32xbf16, #tpu.memory_space<hbm>> -> memref<128x32xbf16, #tpu.memory_space<hbm>>
        tpu.wait_dma2 semaphore(%run_scoped3A : memref<!tpu.dma_semaphore, #tpu.memory_space<semaphore_mem>>) src(%arg12 : memref<128x32xbf16, #tpu.memory_space<vmem>>) dst(%dma_wait3A_93 : memref<128x32xbf16, #tpu.memory_space<hbm>>)
        tpu.yield
      }) : () -> ()
      %add3A_79 = arith.constant 2 : i32
      %add3A_80 = arith.addi %add3A_39, %add3A_79 : i32
      %lt3A_81 = arith.constant 26 : i32
      %lt3A_82 = arith.cmpi slt, %add3A_80, %lt3A_81 : i32
      %convert_element_type3A_83 = arith.extui %lt3A_82 : i1 to i32
      %cond3A_84 = arith.constant 0 : i32
      %cond3A_85 = arith.cmpi ne, %convert_element_type3A_83, %cond3A_84 : i32
      scf.if %cond3A_85 {
        %add3A_86 = arith.constant 2 : i32
        %add3A_87 = arith.addi %add3A_39, %add3A_86 : i32
        %dma_start3A_88 = arith.constant 0 : i32
        %dma_start3A_89 = tpu.memref_slice %arg7[%add3A_87, %dma_start3A_88] : memref<26x128xi32, #tpu.memory_space<vmem>> -> memref<1x128xi32, #tpu.memory_space<vmem>>
        %dma_start3A_90 = tpu.memref_squeeze %dma_start3A_89 : memref<1x128xi32, #tpu.memory_space<vmem>> -> memref<128xi32, #tpu.memory_space<vmem>>
        %dma_start3A_91 = arith.constant 0 : i32
        %dma_start3A_92 = arith.constant 0 : i32
        %dma_start3A_93 = tpu.memref_slice %arg2[%dma_start3A_91, %dma_start3A_92] : memref<10112x32xbf16, #tpu.memory_space<hbm>> -> memref<10112x32xbf16, #tpu.memory_space<hbm>>
        tpu.enqueue_indirect_dma source(%dma_start3A_93 : memref<10112x32xbf16, #tpu.memory_space<hbm>>) target(%arg10 : memref<128x32xbf16, #tpu.memory_space<vmem>>) offsets(%dma_start3A_90 : memref<128xi32, #tpu.memory_space<vmem>>) semaphore(%arg14 : memref<!tpu.dma_semaphore, #tpu.memory_space<semaphore_mem>>)
        %add3A_94 = arith.constant 2 : i32
        %add3A_95 = arith.addi %add3A_39, %add3A_94 : i32
        %dma_start3A_96 = arith.constant 0 : i32
        %dma_start3A_97 = tpu.memref_slice %arg8[%add3A_95, %dma_start3A_96] : memref<26x128xi32, #tpu.memory_space<vmem>> -> memref<1x128xi32, #tpu.memory_space<vmem>>
        %dma_start3A_98 = tpu.memref_squeeze %dma_start3A_97 : memref<1x128xi32, #tpu.memory_space<vmem>> -> memref<128xi32, #tpu.memory_space<vmem>>
        %dma_start3A_99 = arith.constant 0 : i32
        %dma_start3A_100 = arith.constant 0 : i32
        %dma_start3A_101 = tpu.memref_slice %arg2[%dma_start3A_99, %dma_start3A_100] : memref<10112x32xbf16, #tpu.memory_space<hbm>> -> memref<10112x32xbf16, #tpu.memory_space<hbm>>
        tpu.enqueue_indirect_dma source(%dma_start3A_101 : memref<10112x32xbf16, #tpu.memory_space<hbm>>) target(%arg12 : memref<128x32xbf16, #tpu.memory_space<vmem>>) offsets(%dma_start3A_98 : memref<128xi32, #tpu.memory_space<vmem>>) semaphore(%arg16 : memref<!tpu.dma_semaphore, #tpu.memory_space<semaphore_mem>>)
      } else {
      }
    }
    %scan3A_34 = arith.constant 13 : i32
    return
  }
}

#map = affine_map<(d0, d1) -> (0, 0)>
#map1 = affine_map<(d0, d1) -> (0, 0, 0)>
module attributes {stable_mosaic.version = 14 : i64} {
  func.func @k(%arg0: i32, %arg1: i32, %arg2: memref<10112x80xf32, #tpu.memory_space<hbm>>, %arg3: memref<32x80x128xi32, #tpu.memory_space<hbm>>, %arg4: memref<32x80x128xi32, #tpu.memory_space<hbm>>, %arg5: memref<10112x80xf32, #tpu.memory_space<hbm>>, %arg6: memref<2x10112x80xf32, #tpu.memory_space<hbm>>, %arg7: memref<80x128xi32, #tpu.memory_space<vmem>>, %arg8: memref<80x128xi32, #tpu.memory_space<vmem>>, %arg9: memref<128x80xf32, #tpu.memory_space<vmem>>, %arg10: memref<128x80xf32, #tpu.memory_space<vmem>>, %arg11: memref<10112x80xf32, #tpu.memory_space<vmem_shared>>, %arg12: memref<!tpu.dma_semaphore, #tpu.memory_space<semaphore_mem>>, %arg13: memref<!tpu.dma_semaphore, #tpu.memory_space<semaphore_mem>>) attributes {dimension_semantics = [#tpu.dimension_semantics<core_parallel>, #tpu.dimension_semantics<subcore_parallel>], iteration_bounds = array<i64: 2, 16>, scalar_prefetch = 0 : i64, scratch_operands = 7 : i64, tpu.core_type = #tpu.core_type<sc_vector_subcore>, window_params = [{transform_indices = #map}, {transform_indices = #map1}, {transform_indices = #map1}, {transform_indices = #map}, {transform_indices = #map1}]} {
    %mul3A = arith.constant 16 : i32
    %mul3A_0 = arith.muli %arg0, %mul3A : i32
    %add3A = arith.addi %mul3A_0, %arg1 : i32
    %mul3A_1 = arith.constant 632 : i32
    %mul3A_2 = arith.muli %arg1, %mul3A_1 : i32
    "tpu.region"() ({
      %run_scoped3A = tpu.sem_alloc : memref<!tpu.dma_semaphore, #tpu.memory_space<semaphore_mem>>
      %dma_start3A_22 = arith.constant 0 : i32
      %dma_start3A_23 = tpu.memref_slice %arg11[%mul3A_2, %dma_start3A_22] : memref<10112x80xf32, #tpu.memory_space<vmem_shared>> -> memref<632x80xf32, #tpu.memory_space<vmem_shared>>
      %dma_start3A_24 = arith.constant 0 : i32
      %dma_start3A_25 = tpu.memref_slice %arg5[%mul3A_2, %dma_start3A_24] : memref<10112x80xf32, #tpu.memory_space<hbm>> -> memref<632x80xf32, #tpu.memory_space<hbm>>
      tpu.enqueue_dma source(%dma_start3A_25 : memref<632x80xf32, #tpu.memory_space<hbm>>) target(%dma_start3A_23 : memref<632x80xf32, #tpu.memory_space<vmem_shared>>) target_semaphore(%run_scoped3A : memref<!tpu.dma_semaphore, #tpu.memory_space<semaphore_mem>>)
      %dma_wait3A = arith.constant 0 : i32
      %dma_wait3A_26 = tpu.memref_slice %arg11[%mul3A_2, %dma_wait3A] : memref<10112x80xf32, #tpu.memory_space<vmem_shared>> -> memref<632x80xf32, #tpu.memory_space<vmem_shared>>
      %dma_wait3A_27 = arith.constant 0 : i32
      %dma_wait3A_28 = tpu.memref_slice %arg5[%mul3A_2, %dma_wait3A_27] : memref<10112x80xf32, #tpu.memory_space<hbm>> -> memref<632x80xf32, #tpu.memory_space<hbm>>
      tpu.wait_dma2 semaphore(%run_scoped3A : memref<!tpu.dma_semaphore, #tpu.memory_space<semaphore_mem>>) src(%dma_wait3A_28 : memref<632x80xf32, #tpu.memory_space<hbm>>) dst(%dma_wait3A_26 : memref<632x80xf32, #tpu.memory_space<vmem_shared>>)
      tpu.yield
    }) : () -> ()
    "tpu.region"() ({
      %run_scoped3A = tpu.sem_alloc : memref<!tpu.dma_semaphore, #tpu.memory_space<semaphore_mem>>
      %dma_start3A_22 = arith.constant 0 : i32
      %dma_start3A_23 = arith.constant 0 : i32
      %dma_start3A_24 = tpu.memref_slice %arg3[%add3A, %dma_start3A_22, %dma_start3A_23] : memref<32x80x128xi32, #tpu.memory_space<hbm>> -> memref<1x80x128xi32, #tpu.memory_space<hbm>>
      %dma_start3A_25 = tpu.memref_squeeze %dma_start3A_24 : memref<1x80x128xi32, #tpu.memory_space<hbm>> -> memref<80x128xi32, #tpu.memory_space<hbm>>
      %dma_start3A_26 = arith.constant 0 : i32
      %dma_start3A_27 = arith.constant 0 : i32
      %dma_start3A_28 = tpu.memref_slice %arg3[%add3A, %dma_start3A_26, %dma_start3A_27] : memref<32x80x128xi32, #tpu.memory_space<hbm>> -> memref<1x80x128xi32, #tpu.memory_space<hbm>>
      %dma_start3A_29 = tpu.memref_squeeze %dma_start3A_28 : memref<1x80x128xi32, #tpu.memory_space<hbm>> -> memref<80x128xi32, #tpu.memory_space<hbm>>
      tpu.enqueue_dma source(%dma_start3A_29 : memref<80x128xi32, #tpu.memory_space<hbm>>) target(%arg7 : memref<80x128xi32, #tpu.memory_space<vmem>>) target_semaphore(%run_scoped3A : memref<!tpu.dma_semaphore, #tpu.memory_space<semaphore_mem>>)
      %dma_wait3A = arith.constant 0 : i32
      %dma_wait3A_30 = arith.constant 0 : i32
      %dma_wait3A_31 = tpu.memref_slice %arg3[%add3A, %dma_wait3A, %dma_wait3A_30] : memref<32x80x128xi32, #tpu.memory_space<hbm>> -> memref<1x80x128xi32, #tpu.memory_space<hbm>>
      %dma_wait3A_32 = tpu.memref_squeeze %dma_wait3A_31 : memref<1x80x128xi32, #tpu.memory_space<hbm>> -> memref<80x128xi32, #tpu.memory_space<hbm>>
      %dma_wait3A_33 = arith.constant 0 : i32
      %dma_wait3A_34 = arith.constant 0 : i32
      %dma_wait3A_35 = tpu.memref_slice %arg3[%add3A, %dma_wait3A_33, %dma_wait3A_34] : memref<32x80x128xi32, #tpu.memory_space<hbm>> -> memref<1x80x128xi32, #tpu.memory_space<hbm>>
      %dma_wait3A_36 = tpu.memref_squeeze %dma_wait3A_35 : memref<1x80x128xi32, #tpu.memory_space<hbm>> -> memref<80x128xi32, #tpu.memory_space<hbm>>
      tpu.wait_dma2 semaphore(%run_scoped3A : memref<!tpu.dma_semaphore, #tpu.memory_space<semaphore_mem>>) src(%dma_wait3A_36 : memref<80x128xi32, #tpu.memory_space<hbm>>) dst(%arg7 : memref<80x128xi32, #tpu.memory_space<vmem>>)
      tpu.yield
    }) : () -> ()
    "tpu.region"() ({
      %run_scoped3A = tpu.sem_alloc : memref<!tpu.dma_semaphore, #tpu.memory_space<semaphore_mem>>
      %dma_start3A_22 = arith.constant 0 : i32
      %dma_start3A_23 = arith.constant 0 : i32
      %dma_start3A_24 = tpu.memref_slice %arg4[%add3A, %dma_start3A_22, %dma_start3A_23] : memref<32x80x128xi32, #tpu.memory_space<hbm>> -> memref<1x80x128xi32, #tpu.memory_space<hbm>>
      %dma_start3A_25 = tpu.memref_squeeze %dma_start3A_24 : memref<1x80x128xi32, #tpu.memory_space<hbm>> -> memref<80x128xi32, #tpu.memory_space<hbm>>
      %dma_start3A_26 = arith.constant 0 : i32
      %dma_start3A_27 = arith.constant 0 : i32
      %dma_start3A_28 = tpu.memref_slice %arg4[%add3A, %dma_start3A_26, %dma_start3A_27] : memref<32x80x128xi32, #tpu.memory_space<hbm>> -> memref<1x80x128xi32, #tpu.memory_space<hbm>>
      %dma_start3A_29 = tpu.memref_squeeze %dma_start3A_28 : memref<1x80x128xi32, #tpu.memory_space<hbm>> -> memref<80x128xi32, #tpu.memory_space<hbm>>
      tpu.enqueue_dma source(%dma_start3A_29 : memref<80x128xi32, #tpu.memory_space<hbm>>) target(%arg8 : memref<80x128xi32, #tpu.memory_space<vmem>>) target_semaphore(%run_scoped3A : memref<!tpu.dma_semaphore, #tpu.memory_space<semaphore_mem>>)
      %dma_wait3A = arith.constant 0 : i32
      %dma_wait3A_30 = arith.constant 0 : i32
      %dma_wait3A_31 = tpu.memref_slice %arg4[%add3A, %dma_wait3A, %dma_wait3A_30] : memref<32x80x128xi32, #tpu.memory_space<hbm>> -> memref<1x80x128xi32, #tpu.memory_space<hbm>>
      %dma_wait3A_32 = tpu.memref_squeeze %dma_wait3A_31 : memref<1x80x128xi32, #tpu.memory_space<hbm>> -> memref<80x128xi32, #tpu.memory_space<hbm>>
      %dma_wait3A_33 = arith.constant 0 : i32
      %dma_wait3A_34 = arith.constant 0 : i32
      %dma_wait3A_35 = tpu.memref_slice %arg4[%add3A, %dma_wait3A_33, %dma_wait3A_34] : memref<32x80x128xi32, #tpu.memory_space<hbm>> -> memref<1x80x128xi32, #tpu.memory_space<hbm>>
      %dma_wait3A_36 = tpu.memref_squeeze %dma_wait3A_35 : memref<1x80x128xi32, #tpu.memory_space<hbm>> -> memref<80x128xi32, #tpu.memory_space<hbm>>
      tpu.wait_dma2 semaphore(%run_scoped3A : memref<!tpu.dma_semaphore, #tpu.memory_space<semaphore_mem>>) src(%dma_wait3A_36 : memref<80x128xi32, #tpu.memory_space<hbm>>) dst(%arg8 : memref<80x128xi32, #tpu.memory_space<vmem>>)
      tpu.yield
    }) : () -> ()
    %barrier3A = arith.constant 0 : index
    tpu.barrier barrier_id(%barrier3A)
    %dma_start3A = arith.constant 0 : i32
    %dma_start3A_3 = arith.constant 0 : i32
    %dma_start3A_4 = tpu.memref_slice %arg7[%dma_start3A, %dma_start3A_3] : memref<80x128xi32, #tpu.memory_space<vmem>> -> memref<1x128xi32, #tpu.memory_space<vmem>>
    %dma_start3A_5 = tpu.memref_squeeze %dma_start3A_4 : memref<1x128xi32, #tpu.memory_space<vmem>> -> memref<128xi32, #tpu.memory_space<vmem>>
    %dma_start3A_6 = arith.constant 0 : i32
    %dma_start3A_7 = arith.constant 0 : i32
    %dma_start3A_8 = tpu.memref_slice %arg2[%dma_start3A_6, %dma_start3A_7] : memref<10112x80xf32, #tpu.memory_space<hbm>> -> memref<10112x80xf32, #tpu.memory_space<hbm>>
    tpu.enqueue_indirect_dma source(%dma_start3A_8 : memref<10112x80xf32, #tpu.memory_space<hbm>>) target(%arg9 : memref<128x80xf32, #tpu.memory_space<vmem>>) offsets(%dma_start3A_5 : memref<128xi32, #tpu.memory_space<vmem>>) semaphore(%arg12 : memref<!tpu.dma_semaphore, #tpu.memory_space<semaphore_mem>>)
    %dma_start3A_9 = arith.constant 1 : i32
    %dma_start3A_10 = arith.constant 0 : i32
    %dma_start3A_11 = tpu.memref_slice %arg7[%dma_start3A_9, %dma_start3A_10] : memref<80x128xi32, #tpu.memory_space<vmem>> -> memref<1x128xi32, #tpu.memory_space<vmem>>
    %dma_start3A_12 = tpu.memref_squeeze %dma_start3A_11 : memref<1x128xi32, #tpu.memory_space<vmem>> -> memref<128xi32, #tpu.memory_space<vmem>>
    %dma_start3A_13 = arith.constant 0 : i32
    %dma_start3A_14 = arith.constant 0 : i32
    %dma_start3A_15 = tpu.memref_slice %arg2[%dma_start3A_13, %dma_start3A_14] : memref<10112x80xf32, #tpu.memory_space<hbm>> -> memref<10112x80xf32, #tpu.memory_space<hbm>>
    tpu.enqueue_indirect_dma source(%dma_start3A_15 : memref<10112x80xf32, #tpu.memory_space<hbm>>) target(%arg10 : memref<128x80xf32, #tpu.memory_space<vmem>>) offsets(%dma_start3A_12 : memref<128xi32, #tpu.memory_space<vmem>>) semaphore(%arg13 : memref<!tpu.dma_semaphore, #tpu.memory_space<semaphore_mem>>)
    %scan3A = arith.constant 0 : i32
    %scan3A_16 = arith.constant 0 : i32
    %scan3A_17 = arith.constant 40 : i32
    %scan3A_18 = arith.addi %scan3A_16, %scan3A_17 : i32
    %scan3A_19 = arith.constant 1 : i32
    scf.for %scan3A_22 = %scan3A_16 to %scan3A_18 step %scan3A_19  : i32 {
      %mul3A_23 = arith.constant 2 : i32
      %mul3A_24 = arith.muli %mul3A_23, %scan3A_22 : i32
      %add3A_25 = arith.constant 1 : i32
      %add3A_26 = arith.addi %mul3A_24, %add3A_25 : i32
      %dma_wait3A = arith.constant 0 : i32
      %dma_wait3A_27 = tpu.memref_slice %arg7[%mul3A_24, %dma_wait3A] : memref<80x128xi32, #tpu.memory_space<vmem>> -> memref<1x128xi32, #tpu.memory_space<vmem>>
      %dma_wait3A_28 = tpu.memref_squeeze %dma_wait3A_27 : memref<1x128xi32, #tpu.memory_space<vmem>> -> memref<128xi32, #tpu.memory_space<vmem>>
      %dma_wait3A_29 = arith.constant 0 : i32
      %dma_wait3A_30 = arith.constant 0 : i32
      %dma_wait3A_31 = tpu.memref_slice %arg2[%dma_wait3A_29, %dma_wait3A_30] : memref<10112x80xf32, #tpu.memory_space<hbm>> -> memref<10112x80xf32, #tpu.memory_space<hbm>>
      tpu.wait_indirect_dma semaphore(%arg12 : memref<!tpu.dma_semaphore, #tpu.memory_space<semaphore_mem>>) src(%dma_wait3A_31 : memref<10112x80xf32, #tpu.memory_space<hbm>>) dst(%arg9 : memref<128x80xf32, #tpu.memory_space<vmem>>)
      "tpu.region"() ({
        %run_scoped3A = tpu.sem_alloc : memref<!tpu.dma_semaphore, #tpu.memory_space<semaphore_mem>>
        %dma_start3A_49 = arith.constant 0 : i32
        %dma_start3A_50 = tpu.memref_slice %arg8[%mul3A_24, %dma_start3A_49] : memref<80x128xi32, #tpu.memory_space<vmem>> -> memref<1x128xi32, #tpu.memory_space<vmem>>
        %dma_start3A_51 = tpu.memref_squeeze %dma_start3A_50 : memref<1x128xi32, #tpu.memory_space<vmem>> -> memref<128xi32, #tpu.memory_space<vmem>>
        %dma_start3A_52 = arith.constant 0 : i32
        %dma_start3A_53 = arith.constant 0 : i32
        %dma_start3A_54 = tpu.memref_slice %arg11[%dma_start3A_52, %dma_start3A_53] : memref<10112x80xf32, #tpu.memory_space<vmem_shared>> -> memref<10112x80xf32, #tpu.memory_space<vmem_shared>>
        tpu.enqueue_indirect_dma source(%arg9 : memref<128x80xf32, #tpu.memory_space<vmem>>) target(%dma_start3A_54 : memref<10112x80xf32, #tpu.memory_space<vmem_shared>>) offsets(%dma_start3A_51 : memref<128xi32, #tpu.memory_space<vmem>>) semaphore(%run_scoped3A : memref<!tpu.dma_semaphore, #tpu.memory_space<semaphore_mem>>) {add = true}
        %dma_wait3A_55 = arith.constant 0 : i32
        %dma_wait3A_56 = tpu.memref_slice %arg8[%mul3A_24, %dma_wait3A_55] : memref<80x128xi32, #tpu.memory_space<vmem>> -> memref<1x128xi32, #tpu.memory_space<vmem>>
        %dma_wait3A_57 = tpu.memref_squeeze %dma_wait3A_56 : memref<1x128xi32, #tpu.memory_space<vmem>> -> memref<128xi32, #tpu.memory_space<vmem>>
        %dma_wait3A_58 = arith.constant 0 : i32
        %dma_wait3A_59 = arith.constant 0 : i32
        %dma_wait3A_60 = tpu.memref_slice %arg11[%dma_wait3A_58, %dma_wait3A_59] : memref<10112x80xf32, #tpu.memory_space<vmem_shared>> -> memref<10112x80xf32, #tpu.memory_space<vmem_shared>>
        tpu.wait_indirect_dma semaphore(%run_scoped3A : memref<!tpu.dma_semaphore, #tpu.memory_space<semaphore_mem>>) src(%arg9 : memref<128x80xf32, #tpu.memory_space<vmem>>) dst(%dma_wait3A_60 : memref<10112x80xf32, #tpu.memory_space<vmem_shared>>)
        tpu.yield
      }) : () -> ()
      %add3A_32 = arith.constant 2 : i32
      %add3A_33 = arith.addi %mul3A_24, %add3A_32 : i32
      %lt3A = arith.constant 80 : i32
      %lt3A_34 = arith.cmpi slt, %add3A_33, %lt3A : i32
      %convert_element_type3A = arith.extui %lt3A_34 : i1 to i32
      %cond3A = arith.constant 0 : i32
      %cond3A_35 = arith.cmpi ne, %convert_element_type3A, %cond3A : i32
      scf.if %cond3A_35 {
        %add3A_49 = arith.constant 2 : i32
        %add3A_50 = arith.addi %mul3A_24, %add3A_49 : i32
        %dma_start3A_51 = arith.constant 0 : i32
        %dma_start3A_52 = tpu.memref_slice %arg7[%add3A_50, %dma_start3A_51] : memref<80x128xi32, #tpu.memory_space<vmem>> -> memref<1x128xi32, #tpu.memory_space<vmem>>
        %dma_start3A_53 = tpu.memref_squeeze %dma_start3A_52 : memref<1x128xi32, #tpu.memory_space<vmem>> -> memref<128xi32, #tpu.memory_space<vmem>>
        %dma_start3A_54 = arith.constant 0 : i32
        %dma_start3A_55 = arith.constant 0 : i32
        %dma_start3A_56 = tpu.memref_slice %arg2[%dma_start3A_54, %dma_start3A_55] : memref<10112x80xf32, #tpu.memory_space<hbm>> -> memref<10112x80xf32, #tpu.memory_space<hbm>>
        tpu.enqueue_indirect_dma source(%dma_start3A_56 : memref<10112x80xf32, #tpu.memory_space<hbm>>) target(%arg9 : memref<128x80xf32, #tpu.memory_space<vmem>>) offsets(%dma_start3A_53 : memref<128xi32, #tpu.memory_space<vmem>>) semaphore(%arg12 : memref<!tpu.dma_semaphore, #tpu.memory_space<semaphore_mem>>)
      } else {
      }
      %dma_wait3A_36 = arith.constant 0 : i32
      %dma_wait3A_37 = tpu.memref_slice %arg7[%add3A_26, %dma_wait3A_36] : memref<80x128xi32, #tpu.memory_space<vmem>> -> memref<1x128xi32, #tpu.memory_space<vmem>>
      %dma_wait3A_38 = tpu.memref_squeeze %dma_wait3A_37 : memref<1x128xi32, #tpu.memory_space<vmem>> -> memref<128xi32, #tpu.memory_space<vmem>>
      %dma_wait3A_39 = arith.constant 0 : i32
      %dma_wait3A_40 = arith.constant 0 : i32
      %dma_wait3A_41 = tpu.memref_slice %arg2[%dma_wait3A_39, %dma_wait3A_40] : memref<10112x80xf32, #tpu.memory_space<hbm>> -> memref<10112x80xf32, #tpu.memory_space<hbm>>
      tpu.wait_indirect_dma semaphore(%arg13 : memref<!tpu.dma_semaphore, #tpu.memory_space<semaphore_mem>>) src(%dma_wait3A_41 : memref<10112x80xf32, #tpu.memory_space<hbm>>) dst(%arg10 : memref<128x80xf32, #tpu.memory_space<vmem>>)
      "tpu.region"() ({
        %run_scoped3A = tpu.sem_alloc : memref<!tpu.dma_semaphore, #tpu.memory_space<semaphore_mem>>
        %dma_start3A_49 = arith.constant 0 : i32
        %dma_start3A_50 = tpu.memref_slice %arg8[%add3A_26, %dma_start3A_49] : memref<80x128xi32, #tpu.memory_space<vmem>> -> memref<1x128xi32, #tpu.memory_space<vmem>>
        %dma_start3A_51 = tpu.memref_squeeze %dma_start3A_50 : memref<1x128xi32, #tpu.memory_space<vmem>> -> memref<128xi32, #tpu.memory_space<vmem>>
        %dma_start3A_52 = arith.constant 0 : i32
        %dma_start3A_53 = arith.constant 0 : i32
        %dma_start3A_54 = tpu.memref_slice %arg11[%dma_start3A_52, %dma_start3A_53] : memref<10112x80xf32, #tpu.memory_space<vmem_shared>> -> memref<10112x80xf32, #tpu.memory_space<vmem_shared>>
        tpu.enqueue_indirect_dma source(%arg10 : memref<128x80xf32, #tpu.memory_space<vmem>>) target(%dma_start3A_54 : memref<10112x80xf32, #tpu.memory_space<vmem_shared>>) offsets(%dma_start3A_51 : memref<128xi32, #tpu.memory_space<vmem>>) semaphore(%run_scoped3A : memref<!tpu.dma_semaphore, #tpu.memory_space<semaphore_mem>>) {add = true}
        %dma_wait3A_55 = arith.constant 0 : i32
        %dma_wait3A_56 = tpu.memref_slice %arg8[%add3A_26, %dma_wait3A_55] : memref<80x128xi32, #tpu.memory_space<vmem>> -> memref<1x128xi32, #tpu.memory_space<vmem>>
        %dma_wait3A_57 = tpu.memref_squeeze %dma_wait3A_56 : memref<1x128xi32, #tpu.memory_space<vmem>> -> memref<128xi32, #tpu.memory_space<vmem>>
        %dma_wait3A_58 = arith.constant 0 : i32
        %dma_wait3A_59 = arith.constant 0 : i32
        %dma_wait3A_60 = tpu.memref_slice %arg11[%dma_wait3A_58, %dma_wait3A_59] : memref<10112x80xf32, #tpu.memory_space<vmem_shared>> -> memref<10112x80xf32, #tpu.memory_space<vmem_shared>>
        tpu.wait_indirect_dma semaphore(%run_scoped3A : memref<!tpu.dma_semaphore, #tpu.memory_space<semaphore_mem>>) src(%arg10 : memref<128x80xf32, #tpu.memory_space<vmem>>) dst(%dma_wait3A_60 : memref<10112x80xf32, #tpu.memory_space<vmem_shared>>)
        tpu.yield
      }) : () -> ()
      %add3A_42 = arith.constant 2 : i32
      %add3A_43 = arith.addi %add3A_26, %add3A_42 : i32
      %lt3A_44 = arith.constant 80 : i32
      %lt3A_45 = arith.cmpi slt, %add3A_43, %lt3A_44 : i32
      %convert_element_type3A_46 = arith.extui %lt3A_45 : i1 to i32
      %cond3A_47 = arith.constant 0 : i32
      %cond3A_48 = arith.cmpi ne, %convert_element_type3A_46, %cond3A_47 : i32
      scf.if %cond3A_48 {
        %add3A_49 = arith.constant 2 : i32
        %add3A_50 = arith.addi %add3A_26, %add3A_49 : i32
        %dma_start3A_51 = arith.constant 0 : i32
        %dma_start3A_52 = tpu.memref_slice %arg7[%add3A_50, %dma_start3A_51] : memref<80x128xi32, #tpu.memory_space<vmem>> -> memref<1x128xi32, #tpu.memory_space<vmem>>
        %dma_start3A_53 = tpu.memref_squeeze %dma_start3A_52 : memref<1x128xi32, #tpu.memory_space<vmem>> -> memref<128xi32, #tpu.memory_space<vmem>>
        %dma_start3A_54 = arith.constant 0 : i32
        %dma_start3A_55 = arith.constant 0 : i32
        %dma_start3A_56 = tpu.memref_slice %arg2[%dma_start3A_54, %dma_start3A_55] : memref<10112x80xf32, #tpu.memory_space<hbm>> -> memref<10112x80xf32, #tpu.memory_space<hbm>>
        tpu.enqueue_indirect_dma source(%dma_start3A_56 : memref<10112x80xf32, #tpu.memory_space<hbm>>) target(%arg10 : memref<128x80xf32, #tpu.memory_space<vmem>>) offsets(%dma_start3A_53 : memref<128xi32, #tpu.memory_space<vmem>>) semaphore(%arg13 : memref<!tpu.dma_semaphore, #tpu.memory_space<semaphore_mem>>)
      } else {
      }
    }
    %scan3A_20 = arith.constant 40 : i32
    %barrier3A_21 = arith.constant 0 : index
    tpu.barrier barrier_id(%barrier3A_21)
    "tpu.region"() ({
      %run_scoped3A = tpu.sem_alloc : memref<!tpu.dma_semaphore, #tpu.memory_space<semaphore_mem>>
      %dma_start3A_22 = arith.constant 0 : i32
      %dma_start3A_23 = tpu.memref_slice %arg6[%arg0, %mul3A_2, %dma_start3A_22] : memref<2x10112x80xf32, #tpu.memory_space<hbm>> -> memref<1x632x80xf32, #tpu.memory_space<hbm>>
      %dma_start3A_24 = tpu.memref_squeeze %dma_start3A_23 : memref<1x632x80xf32, #tpu.memory_space<hbm>> -> memref<632x80xf32, #tpu.memory_space<hbm>>
      %dma_start3A_25 = arith.constant 0 : i32
      %dma_start3A_26 = tpu.memref_slice %arg11[%mul3A_2, %dma_start3A_25] : memref<10112x80xf32, #tpu.memory_space<vmem_shared>> -> memref<632x80xf32, #tpu.memory_space<vmem_shared>>
      tpu.enqueue_dma source(%dma_start3A_26 : memref<632x80xf32, #tpu.memory_space<vmem_shared>>) target(%dma_start3A_24 : memref<632x80xf32, #tpu.memory_space<hbm>>) target_semaphore(%run_scoped3A : memref<!tpu.dma_semaphore, #tpu.memory_space<semaphore_mem>>)
      %dma_wait3A = arith.constant 0 : i32
      %dma_wait3A_27 = tpu.memref_slice %arg6[%arg0, %mul3A_2, %dma_wait3A] : memref<2x10112x80xf32, #tpu.memory_space<hbm>> -> memref<1x632x80xf32, #tpu.memory_space<hbm>>
      %dma_wait3A_28 = tpu.memref_squeeze %dma_wait3A_27 : memref<1x632x80xf32, #tpu.memory_space<hbm>> -> memref<632x80xf32, #tpu.memory_space<hbm>>
      %dma_wait3A_29 = arith.constant 0 : i32
      %dma_wait3A_30 = tpu.memref_slice %arg11[%mul3A_2, %dma_wait3A_29] : memref<10112x80xf32, #tpu.memory_space<vmem_shared>> -> memref<632x80xf32, #tpu.memory_space<vmem_shared>>
      tpu.wait_dma2 semaphore(%run_scoped3A : memref<!tpu.dma_semaphore, #tpu.memory_space<semaphore_mem>>) src(%dma_wait3A_30 : memref<632x80xf32, #tpu.memory_space<vmem_shared>>) dst(%dma_wait3A_28 : memref<632x80xf32, #tpu.memory_space<hbm>>)
      tpu.yield
    }) : () -> ()
    return
  }
}

#map = affine_map<(d0, d1) -> (0, 0)>
#map1 = affine_map<(d0, d1) -> (0, 0, 0)>
module attributes {stable_mosaic.version = 14 : i64} {
  func.func @k(%arg0: i32, %arg1: i32, %arg2: memref<10112x32xf32, #tpu.memory_space<hbm>>, %arg3: memref<32x80x128xi32, #tpu.memory_space<hbm>>, %arg4: memref<32x80x128xi32, #tpu.memory_space<hbm>>, %arg5: memref<10112x32xf32, #tpu.memory_space<hbm>>, %arg6: memref<2x10112x32xf32, #tpu.memory_space<hbm>>, %arg7: memref<80x128xi32, #tpu.memory_space<vmem>>, %arg8: memref<80x128xi32, #tpu.memory_space<vmem>>, %arg9: memref<128x32xf32, #tpu.memory_space<vmem>>, %arg10: memref<128x32xf32, #tpu.memory_space<vmem>>, %arg11: memref<10112x32xf32, #tpu.memory_space<vmem_shared>>, %arg12: memref<!tpu.dma_semaphore, #tpu.memory_space<semaphore_mem>>, %arg13: memref<!tpu.dma_semaphore, #tpu.memory_space<semaphore_mem>>) attributes {dimension_semantics = [#tpu.dimension_semantics<core_parallel>, #tpu.dimension_semantics<subcore_parallel>], iteration_bounds = array<i64: 2, 16>, scalar_prefetch = 0 : i64, scratch_operands = 7 : i64, tpu.core_type = #tpu.core_type<sc_vector_subcore>, window_params = [{transform_indices = #map}, {transform_indices = #map1}, {transform_indices = #map1}, {transform_indices = #map}, {transform_indices = #map1}]} {
    %mul3A = arith.constant 16 : i32
    %mul3A_0 = arith.muli %arg0, %mul3A : i32
    %add3A = arith.addi %mul3A_0, %arg1 : i32
    %mul3A_1 = arith.constant 632 : i32
    %mul3A_2 = arith.muli %arg1, %mul3A_1 : i32
    "tpu.region"() ({
      %run_scoped3A = tpu.sem_alloc : memref<!tpu.dma_semaphore, #tpu.memory_space<semaphore_mem>>
      %dma_start3A_22 = arith.constant 0 : i32
      %dma_start3A_23 = tpu.memref_slice %arg11[%mul3A_2, %dma_start3A_22] : memref<10112x32xf32, #tpu.memory_space<vmem_shared>> -> memref<632x32xf32, #tpu.memory_space<vmem_shared>>
      %dma_start3A_24 = arith.constant 0 : i32
      %dma_start3A_25 = tpu.memref_slice %arg5[%mul3A_2, %dma_start3A_24] : memref<10112x32xf32, #tpu.memory_space<hbm>> -> memref<632x32xf32, #tpu.memory_space<hbm>>
      tpu.enqueue_dma source(%dma_start3A_25 : memref<632x32xf32, #tpu.memory_space<hbm>>) target(%dma_start3A_23 : memref<632x32xf32, #tpu.memory_space<vmem_shared>>) target_semaphore(%run_scoped3A : memref<!tpu.dma_semaphore, #tpu.memory_space<semaphore_mem>>)
      %dma_wait3A = arith.constant 0 : i32
      %dma_wait3A_26 = tpu.memref_slice %arg11[%mul3A_2, %dma_wait3A] : memref<10112x32xf32, #tpu.memory_space<vmem_shared>> -> memref<632x32xf32, #tpu.memory_space<vmem_shared>>
      %dma_wait3A_27 = arith.constant 0 : i32
      %dma_wait3A_28 = tpu.memref_slice %arg5[%mul3A_2, %dma_wait3A_27] : memref<10112x32xf32, #tpu.memory_space<hbm>> -> memref<632x32xf32, #tpu.memory_space<hbm>>
      tpu.wait_dma2 semaphore(%run_scoped3A : memref<!tpu.dma_semaphore, #tpu.memory_space<semaphore_mem>>) src(%dma_wait3A_28 : memref<632x32xf32, #tpu.memory_space<hbm>>) dst(%dma_wait3A_26 : memref<632x32xf32, #tpu.memory_space<vmem_shared>>)
      tpu.yield
    }) : () -> ()
    "tpu.region"() ({
      %run_scoped3A = tpu.sem_alloc : memref<!tpu.dma_semaphore, #tpu.memory_space<semaphore_mem>>
      %dma_start3A_22 = arith.constant 0 : i32
      %dma_start3A_23 = arith.constant 0 : i32
      %dma_start3A_24 = tpu.memref_slice %arg3[%add3A, %dma_start3A_22, %dma_start3A_23] : memref<32x80x128xi32, #tpu.memory_space<hbm>> -> memref<1x80x128xi32, #tpu.memory_space<hbm>>
      %dma_start3A_25 = tpu.memref_squeeze %dma_start3A_24 : memref<1x80x128xi32, #tpu.memory_space<hbm>> -> memref<80x128xi32, #tpu.memory_space<hbm>>
      %dma_start3A_26 = arith.constant 0 : i32
      %dma_start3A_27 = arith.constant 0 : i32
      %dma_start3A_28 = tpu.memref_slice %arg3[%add3A, %dma_start3A_26, %dma_start3A_27] : memref<32x80x128xi32, #tpu.memory_space<hbm>> -> memref<1x80x128xi32, #tpu.memory_space<hbm>>
      %dma_start3A_29 = tpu.memref_squeeze %dma_start3A_28 : memref<1x80x128xi32, #tpu.memory_space<hbm>> -> memref<80x128xi32, #tpu.memory_space<hbm>>
      tpu.enqueue_dma source(%dma_start3A_29 : memref<80x128xi32, #tpu.memory_space<hbm>>) target(%arg7 : memref<80x128xi32, #tpu.memory_space<vmem>>) target_semaphore(%run_scoped3A : memref<!tpu.dma_semaphore, #tpu.memory_space<semaphore_mem>>)
      %dma_wait3A = arith.constant 0 : i32
      %dma_wait3A_30 = arith.constant 0 : i32
      %dma_wait3A_31 = tpu.memref_slice %arg3[%add3A, %dma_wait3A, %dma_wait3A_30] : memref<32x80x128xi32, #tpu.memory_space<hbm>> -> memref<1x80x128xi32, #tpu.memory_space<hbm>>
      %dma_wait3A_32 = tpu.memref_squeeze %dma_wait3A_31 : memref<1x80x128xi32, #tpu.memory_space<hbm>> -> memref<80x128xi32, #tpu.memory_space<hbm>>
      %dma_wait3A_33 = arith.constant 0 : i32
      %dma_wait3A_34 = arith.constant 0 : i32
      %dma_wait3A_35 = tpu.memref_slice %arg3[%add3A, %dma_wait3A_33, %dma_wait3A_34] : memref<32x80x128xi32, #tpu.memory_space<hbm>> -> memref<1x80x128xi32, #tpu.memory_space<hbm>>
      %dma_wait3A_36 = tpu.memref_squeeze %dma_wait3A_35 : memref<1x80x128xi32, #tpu.memory_space<hbm>> -> memref<80x128xi32, #tpu.memory_space<hbm>>
      tpu.wait_dma2 semaphore(%run_scoped3A : memref<!tpu.dma_semaphore, #tpu.memory_space<semaphore_mem>>) src(%dma_wait3A_36 : memref<80x128xi32, #tpu.memory_space<hbm>>) dst(%arg7 : memref<80x128xi32, #tpu.memory_space<vmem>>)
      tpu.yield
    }) : () -> ()
    "tpu.region"() ({
      %run_scoped3A = tpu.sem_alloc : memref<!tpu.dma_semaphore, #tpu.memory_space<semaphore_mem>>
      %dma_start3A_22 = arith.constant 0 : i32
      %dma_start3A_23 = arith.constant 0 : i32
      %dma_start3A_24 = tpu.memref_slice %arg4[%add3A, %dma_start3A_22, %dma_start3A_23] : memref<32x80x128xi32, #tpu.memory_space<hbm>> -> memref<1x80x128xi32, #tpu.memory_space<hbm>>
      %dma_start3A_25 = tpu.memref_squeeze %dma_start3A_24 : memref<1x80x128xi32, #tpu.memory_space<hbm>> -> memref<80x128xi32, #tpu.memory_space<hbm>>
      %dma_start3A_26 = arith.constant 0 : i32
      %dma_start3A_27 = arith.constant 0 : i32
      %dma_start3A_28 = tpu.memref_slice %arg4[%add3A, %dma_start3A_26, %dma_start3A_27] : memref<32x80x128xi32, #tpu.memory_space<hbm>> -> memref<1x80x128xi32, #tpu.memory_space<hbm>>
      %dma_start3A_29 = tpu.memref_squeeze %dma_start3A_28 : memref<1x80x128xi32, #tpu.memory_space<hbm>> -> memref<80x128xi32, #tpu.memory_space<hbm>>
      tpu.enqueue_dma source(%dma_start3A_29 : memref<80x128xi32, #tpu.memory_space<hbm>>) target(%arg8 : memref<80x128xi32, #tpu.memory_space<vmem>>) target_semaphore(%run_scoped3A : memref<!tpu.dma_semaphore, #tpu.memory_space<semaphore_mem>>)
      %dma_wait3A = arith.constant 0 : i32
      %dma_wait3A_30 = arith.constant 0 : i32
      %dma_wait3A_31 = tpu.memref_slice %arg4[%add3A, %dma_wait3A, %dma_wait3A_30] : memref<32x80x128xi32, #tpu.memory_space<hbm>> -> memref<1x80x128xi32, #tpu.memory_space<hbm>>
      %dma_wait3A_32 = tpu.memref_squeeze %dma_wait3A_31 : memref<1x80x128xi32, #tpu.memory_space<hbm>> -> memref<80x128xi32, #tpu.memory_space<hbm>>
      %dma_wait3A_33 = arith.constant 0 : i32
      %dma_wait3A_34 = arith.constant 0 : i32
      %dma_wait3A_35 = tpu.memref_slice %arg4[%add3A, %dma_wait3A_33, %dma_wait3A_34] : memref<32x80x128xi32, #tpu.memory_space<hbm>> -> memref<1x80x128xi32, #tpu.memory_space<hbm>>
      %dma_wait3A_36 = tpu.memref_squeeze %dma_wait3A_35 : memref<1x80x128xi32, #tpu.memory_space<hbm>> -> memref<80x128xi32, #tpu.memory_space<hbm>>
      tpu.wait_dma2 semaphore(%run_scoped3A : memref<!tpu.dma_semaphore, #tpu.memory_space<semaphore_mem>>) src(%dma_wait3A_36 : memref<80x128xi32, #tpu.memory_space<hbm>>) dst(%arg8 : memref<80x128xi32, #tpu.memory_space<vmem>>)
      tpu.yield
    }) : () -> ()
    %barrier3A = arith.constant 0 : index
    tpu.barrier barrier_id(%barrier3A)
    %dma_start3A = arith.constant 0 : i32
    %dma_start3A_3 = arith.constant 0 : i32
    %dma_start3A_4 = tpu.memref_slice %arg7[%dma_start3A, %dma_start3A_3] : memref<80x128xi32, #tpu.memory_space<vmem>> -> memref<1x128xi32, #tpu.memory_space<vmem>>
    %dma_start3A_5 = tpu.memref_squeeze %dma_start3A_4 : memref<1x128xi32, #tpu.memory_space<vmem>> -> memref<128xi32, #tpu.memory_space<vmem>>
    %dma_start3A_6 = arith.constant 0 : i32
    %dma_start3A_7 = arith.constant 0 : i32
    %dma_start3A_8 = tpu.memref_slice %arg2[%dma_start3A_6, %dma_start3A_7] : memref<10112x32xf32, #tpu.memory_space<hbm>> -> memref<10112x32xf32, #tpu.memory_space<hbm>>
    tpu.enqueue_indirect_dma source(%dma_start3A_8 : memref<10112x32xf32, #tpu.memory_space<hbm>>) target(%arg9 : memref<128x32xf32, #tpu.memory_space<vmem>>) offsets(%dma_start3A_5 : memref<128xi32, #tpu.memory_space<vmem>>) semaphore(%arg12 : memref<!tpu.dma_semaphore, #tpu.memory_space<semaphore_mem>>)
    %dma_start3A_9 = arith.constant 1 : i32
    %dma_start3A_10 = arith.constant 0 : i32
    %dma_start3A_11 = tpu.memref_slice %arg7[%dma_start3A_9, %dma_start3A_10] : memref<80x128xi32, #tpu.memory_space<vmem>> -> memref<1x128xi32, #tpu.memory_space<vmem>>
    %dma_start3A_12 = tpu.memref_squeeze %dma_start3A_11 : memref<1x128xi32, #tpu.memory_space<vmem>> -> memref<128xi32, #tpu.memory_space<vmem>>
    %dma_start3A_13 = arith.constant 0 : i32
    %dma_start3A_14 = arith.constant 0 : i32
    %dma_start3A_15 = tpu.memref_slice %arg2[%dma_start3A_13, %dma_start3A_14] : memref<10112x32xf32, #tpu.memory_space<hbm>> -> memref<10112x32xf32, #tpu.memory_space<hbm>>
    tpu.enqueue_indirect_dma source(%dma_start3A_15 : memref<10112x32xf32, #tpu.memory_space<hbm>>) target(%arg10 : memref<128x32xf32, #tpu.memory_space<vmem>>) offsets(%dma_start3A_12 : memref<128xi32, #tpu.memory_space<vmem>>) semaphore(%arg13 : memref<!tpu.dma_semaphore, #tpu.memory_space<semaphore_mem>>)
    %scan3A = arith.constant 0 : i32
    %scan3A_16 = arith.constant 0 : i32
    %scan3A_17 = arith.constant 40 : i32
    %scan3A_18 = arith.addi %scan3A_16, %scan3A_17 : i32
    %scan3A_19 = arith.constant 1 : i32
    scf.for %scan3A_22 = %scan3A_16 to %scan3A_18 step %scan3A_19  : i32 {
      %mul3A_23 = arith.constant 2 : i32
      %mul3A_24 = arith.muli %mul3A_23, %scan3A_22 : i32
      %add3A_25 = arith.constant 1 : i32
      %add3A_26 = arith.addi %mul3A_24, %add3A_25 : i32
      %dma_wait3A = arith.constant 0 : i32
      %dma_wait3A_27 = tpu.memref_slice %arg7[%mul3A_24, %dma_wait3A] : memref<80x128xi32, #tpu.memory_space<vmem>> -> memref<1x128xi32, #tpu.memory_space<vmem>>
      %dma_wait3A_28 = tpu.memref_squeeze %dma_wait3A_27 : memref<1x128xi32, #tpu.memory_space<vmem>> -> memref<128xi32, #tpu.memory_space<vmem>>
      %dma_wait3A_29 = arith.constant 0 : i32
      %dma_wait3A_30 = arith.constant 0 : i32
      %dma_wait3A_31 = tpu.memref_slice %arg2[%dma_wait3A_29, %dma_wait3A_30] : memref<10112x32xf32, #tpu.memory_space<hbm>> -> memref<10112x32xf32, #tpu.memory_space<hbm>>
      tpu.wait_indirect_dma semaphore(%arg12 : memref<!tpu.dma_semaphore, #tpu.memory_space<semaphore_mem>>) src(%dma_wait3A_31 : memref<10112x32xf32, #tpu.memory_space<hbm>>) dst(%arg9 : memref<128x32xf32, #tpu.memory_space<vmem>>)
      "tpu.region"() ({
        %run_scoped3A = tpu.sem_alloc : memref<!tpu.dma_semaphore, #tpu.memory_space<semaphore_mem>>
        %dma_start3A_49 = arith.constant 0 : i32
        %dma_start3A_50 = tpu.memref_slice %arg8[%mul3A_24, %dma_start3A_49] : memref<80x128xi32, #tpu.memory_space<vmem>> -> memref<1x128xi32, #tpu.memory_space<vmem>>
        %dma_start3A_51 = tpu.memref_squeeze %dma_start3A_50 : memref<1x128xi32, #tpu.memory_space<vmem>> -> memref<128xi32, #tpu.memory_space<vmem>>
        %dma_start3A_52 = arith.constant 0 : i32
        %dma_start3A_53 = arith.constant 0 : i32
        %dma_start3A_54 = tpu.memref_slice %arg11[%dma_start3A_52, %dma_start3A_53] : memref<10112x32xf32, #tpu.memory_space<vmem_shared>> -> memref<10112x32xf32, #tpu.memory_space<vmem_shared>>
        tpu.enqueue_indirect_dma source(%arg9 : memref<128x32xf32, #tpu.memory_space<vmem>>) target(%dma_start3A_54 : memref<10112x32xf32, #tpu.memory_space<vmem_shared>>) offsets(%dma_start3A_51 : memref<128xi32, #tpu.memory_space<vmem>>) semaphore(%run_scoped3A : memref<!tpu.dma_semaphore, #tpu.memory_space<semaphore_mem>>) {add = true}
        %dma_wait3A_55 = arith.constant 0 : i32
        %dma_wait3A_56 = tpu.memref_slice %arg8[%mul3A_24, %dma_wait3A_55] : memref<80x128xi32, #tpu.memory_space<vmem>> -> memref<1x128xi32, #tpu.memory_space<vmem>>
        %dma_wait3A_57 = tpu.memref_squeeze %dma_wait3A_56 : memref<1x128xi32, #tpu.memory_space<vmem>> -> memref<128xi32, #tpu.memory_space<vmem>>
        %dma_wait3A_58 = arith.constant 0 : i32
        %dma_wait3A_59 = arith.constant 0 : i32
        %dma_wait3A_60 = tpu.memref_slice %arg11[%dma_wait3A_58, %dma_wait3A_59] : memref<10112x32xf32, #tpu.memory_space<vmem_shared>> -> memref<10112x32xf32, #tpu.memory_space<vmem_shared>>
        tpu.wait_indirect_dma semaphore(%run_scoped3A : memref<!tpu.dma_semaphore, #tpu.memory_space<semaphore_mem>>) src(%arg9 : memref<128x32xf32, #tpu.memory_space<vmem>>) dst(%dma_wait3A_60 : memref<10112x32xf32, #tpu.memory_space<vmem_shared>>)
        tpu.yield
      }) : () -> ()
      %add3A_32 = arith.constant 2 : i32
      %add3A_33 = arith.addi %mul3A_24, %add3A_32 : i32
      %lt3A = arith.constant 80 : i32
      %lt3A_34 = arith.cmpi slt, %add3A_33, %lt3A : i32
      %convert_element_type3A = arith.extui %lt3A_34 : i1 to i32
      %cond3A = arith.constant 0 : i32
      %cond3A_35 = arith.cmpi ne, %convert_element_type3A, %cond3A : i32
      scf.if %cond3A_35 {
        %add3A_49 = arith.constant 2 : i32
        %add3A_50 = arith.addi %mul3A_24, %add3A_49 : i32
        %dma_start3A_51 = arith.constant 0 : i32
        %dma_start3A_52 = tpu.memref_slice %arg7[%add3A_50, %dma_start3A_51] : memref<80x128xi32, #tpu.memory_space<vmem>> -> memref<1x128xi32, #tpu.memory_space<vmem>>
        %dma_start3A_53 = tpu.memref_squeeze %dma_start3A_52 : memref<1x128xi32, #tpu.memory_space<vmem>> -> memref<128xi32, #tpu.memory_space<vmem>>
        %dma_start3A_54 = arith.constant 0 : i32
        %dma_start3A_55 = arith.constant 0 : i32
        %dma_start3A_56 = tpu.memref_slice %arg2[%dma_start3A_54, %dma_start3A_55] : memref<10112x32xf32, #tpu.memory_space<hbm>> -> memref<10112x32xf32, #tpu.memory_space<hbm>>
        tpu.enqueue_indirect_dma source(%dma_start3A_56 : memref<10112x32xf32, #tpu.memory_space<hbm>>) target(%arg9 : memref<128x32xf32, #tpu.memory_space<vmem>>) offsets(%dma_start3A_53 : memref<128xi32, #tpu.memory_space<vmem>>) semaphore(%arg12 : memref<!tpu.dma_semaphore, #tpu.memory_space<semaphore_mem>>)
      } else {
      }
      %dma_wait3A_36 = arith.constant 0 : i32
      %dma_wait3A_37 = tpu.memref_slice %arg7[%add3A_26, %dma_wait3A_36] : memref<80x128xi32, #tpu.memory_space<vmem>> -> memref<1x128xi32, #tpu.memory_space<vmem>>
      %dma_wait3A_38 = tpu.memref_squeeze %dma_wait3A_37 : memref<1x128xi32, #tpu.memory_space<vmem>> -> memref<128xi32, #tpu.memory_space<vmem>>
      %dma_wait3A_39 = arith.constant 0 : i32
      %dma_wait3A_40 = arith.constant 0 : i32
      %dma_wait3A_41 = tpu.memref_slice %arg2[%dma_wait3A_39, %dma_wait3A_40] : memref<10112x32xf32, #tpu.memory_space<hbm>> -> memref<10112x32xf32, #tpu.memory_space<hbm>>
      tpu.wait_indirect_dma semaphore(%arg13 : memref<!tpu.dma_semaphore, #tpu.memory_space<semaphore_mem>>) src(%dma_wait3A_41 : memref<10112x32xf32, #tpu.memory_space<hbm>>) dst(%arg10 : memref<128x32xf32, #tpu.memory_space<vmem>>)
      "tpu.region"() ({
        %run_scoped3A = tpu.sem_alloc : memref<!tpu.dma_semaphore, #tpu.memory_space<semaphore_mem>>
        %dma_start3A_49 = arith.constant 0 : i32
        %dma_start3A_50 = tpu.memref_slice %arg8[%add3A_26, %dma_start3A_49] : memref<80x128xi32, #tpu.memory_space<vmem>> -> memref<1x128xi32, #tpu.memory_space<vmem>>
        %dma_start3A_51 = tpu.memref_squeeze %dma_start3A_50 : memref<1x128xi32, #tpu.memory_space<vmem>> -> memref<128xi32, #tpu.memory_space<vmem>>
        %dma_start3A_52 = arith.constant 0 : i32
        %dma_start3A_53 = arith.constant 0 : i32
        %dma_start3A_54 = tpu.memref_slice %arg11[%dma_start3A_52, %dma_start3A_53] : memref<10112x32xf32, #tpu.memory_space<vmem_shared>> -> memref<10112x32xf32, #tpu.memory_space<vmem_shared>>
        tpu.enqueue_indirect_dma source(%arg10 : memref<128x32xf32, #tpu.memory_space<vmem>>) target(%dma_start3A_54 : memref<10112x32xf32, #tpu.memory_space<vmem_shared>>) offsets(%dma_start3A_51 : memref<128xi32, #tpu.memory_space<vmem>>) semaphore(%run_scoped3A : memref<!tpu.dma_semaphore, #tpu.memory_space<semaphore_mem>>) {add = true}
        %dma_wait3A_55 = arith.constant 0 : i32
        %dma_wait3A_56 = tpu.memref_slice %arg8[%add3A_26, %dma_wait3A_55] : memref<80x128xi32, #tpu.memory_space<vmem>> -> memref<1x128xi32, #tpu.memory_space<vmem>>
        %dma_wait3A_57 = tpu.memref_squeeze %dma_wait3A_56 : memref<1x128xi32, #tpu.memory_space<vmem>> -> memref<128xi32, #tpu.memory_space<vmem>>
        %dma_wait3A_58 = arith.constant 0 : i32
        %dma_wait3A_59 = arith.constant 0 : i32
        %dma_wait3A_60 = tpu.memref_slice %arg11[%dma_wait3A_58, %dma_wait3A_59] : memref<10112x32xf32, #tpu.memory_space<vmem_shared>> -> memref<10112x32xf32, #tpu.memory_space<vmem_shared>>
        tpu.wait_indirect_dma semaphore(%run_scoped3A : memref<!tpu.dma_semaphore, #tpu.memory_space<semaphore_mem>>) src(%arg10 : memref<128x32xf32, #tpu.memory_space<vmem>>) dst(%dma_wait3A_60 : memref<10112x32xf32, #tpu.memory_space<vmem_shared>>)
        tpu.yield
      }) : () -> ()
      %add3A_42 = arith.constant 2 : i32
      %add3A_43 = arith.addi %add3A_26, %add3A_42 : i32
      %lt3A_44 = arith.constant 80 : i32
      %lt3A_45 = arith.cmpi slt, %add3A_43, %lt3A_44 : i32
      %convert_element_type3A_46 = arith.extui %lt3A_45 : i1 to i32
      %cond3A_47 = arith.constant 0 : i32
      %cond3A_48 = arith.cmpi ne, %convert_element_type3A_46, %cond3A_47 : i32
      scf.if %cond3A_48 {
        %add3A_49 = arith.constant 2 : i32
        %add3A_50 = arith.addi %add3A_26, %add3A_49 : i32
        %dma_start3A_51 = arith.constant 0 : i32
        %dma_start3A_52 = tpu.memref_slice %arg7[%add3A_50, %dma_start3A_51] : memref<80x128xi32, #tpu.memory_space<vmem>> -> memref<1x128xi32, #tpu.memory_space<vmem>>
        %dma_start3A_53 = tpu.memref_squeeze %dma_start3A_52 : memref<1x128xi32, #tpu.memory_space<vmem>> -> memref<128xi32, #tpu.memory_space<vmem>>
        %dma_start3A_54 = arith.constant 0 : i32
        %dma_start3A_55 = arith.constant 0 : i32
        %dma_start3A_56 = tpu.memref_slice %arg2[%dma_start3A_54, %dma_start3A_55] : memref<10112x32xf32, #tpu.memory_space<hbm>> -> memref<10112x32xf32, #tpu.memory_space<hbm>>
        tpu.enqueue_indirect_dma source(%dma_start3A_56 : memref<10112x32xf32, #tpu.memory_space<hbm>>) target(%arg10 : memref<128x32xf32, #tpu.memory_space<vmem>>) offsets(%dma_start3A_53 : memref<128xi32, #tpu.memory_space<vmem>>) semaphore(%arg13 : memref<!tpu.dma_semaphore, #tpu.memory_space<semaphore_mem>>)
      } else {
      }
    }
    %scan3A_20 = arith.constant 40 : i32
    %barrier3A_21 = arith.constant 0 : index
    tpu.barrier barrier_id(%barrier3A_21)
    "tpu.region"() ({
      %run_scoped3A = tpu.sem_alloc : memref<!tpu.dma_semaphore, #tpu.memory_space<semaphore_mem>>
      %dma_start3A_22 = arith.constant 0 : i32
      %dma_start3A_23 = tpu.memref_slice %arg6[%arg0, %mul3A_2, %dma_start3A_22] : memref<2x10112x32xf32, #tpu.memory_space<hbm>> -> memref<1x632x32xf32, #tpu.memory_space<hbm>>
      %dma_start3A_24 = tpu.memref_squeeze %dma_start3A_23 : memref<1x632x32xf32, #tpu.memory_space<hbm>> -> memref<632x32xf32, #tpu.memory_space<hbm>>
      %dma_start3A_25 = arith.constant 0 : i32
      %dma_start3A_26 = tpu.memref_slice %arg11[%mul3A_2, %dma_start3A_25] : memref<10112x32xf32, #tpu.memory_space<vmem_shared>> -> memref<632x32xf32, #tpu.memory_space<vmem_shared>>
      tpu.enqueue_dma source(%dma_start3A_26 : memref<632x32xf32, #tpu.memory_space<vmem_shared>>) target(%dma_start3A_24 : memref<632x32xf32, #tpu.memory_space<hbm>>) target_semaphore(%run_scoped3A : memref<!tpu.dma_semaphore, #tpu.memory_space<semaphore_mem>>)
      %dma_wait3A = arith.constant 0 : i32
      %dma_wait3A_27 = tpu.memref_slice %arg6[%arg0, %mul3A_2, %dma_wait3A] : memref<2x10112x32xf32, #tpu.memory_space<hbm>> -> memref<1x632x32xf32, #tpu.memory_space<hbm>>
      %dma_wait3A_28 = tpu.memref_squeeze %dma_wait3A_27 : memref<1x632x32xf32, #tpu.memory_space<hbm>> -> memref<632x32xf32, #tpu.memory_space<hbm>>
      %dma_wait3A_29 = arith.constant 0 : i32
      %dma_wait3A_30 = tpu.memref_slice %arg11[%mul3A_2, %dma_wait3A_29] : memref<10112x32xf32, #tpu.memory_space<vmem_shared>> -> memref<632x32xf32, #tpu.memory_space<vmem_shared>>
      tpu.wait_dma2 semaphore(%run_scoped3A : memref<!tpu.dma_semaphore, #tpu.memory_space<semaphore_mem>>) src(%dma_wait3A_30 : memref<632x32xf32, #tpu.memory_space<vmem_shared>>) dst(%dma_wait3A_28 : memref<632x32xf32, #tpu.memory_space<hbm>>)
      tpu.yield
    }) : () -> ()
    return
  }
}

module attributes {stable_mosaic.version = 14 : i64} {
  func.func @body(%arg0: memref<10112x128xf32, #tpu.memory_space<vmem>>, %arg1: memref<128x128xf32, #tpu.memory_space<vmem>>, %arg2: memref<10112x80xf32, #tpu.memory_space<vmem>>, %arg3: memref<10112x64xf32, #tpu.memory_space<vmem>>) attributes {dimension_semantics = [], scalar_prefetch = 0 : i64, scratch_operands = 0 : i64, tpu.core_type = #tpu.core_type<tc>} {
    %get3A = arith.constant 0 : index
    %get3A_0 = arith.constant 0 : index
    %get3A_1 = vector.load %arg0[%get3A, %get3A_0] : memref<10112x128xf32, #tpu.memory_space<vmem>>, vector<10112x128xf32>
    %get3A_2 = arith.constant 0 : index
    %get3A_3 = arith.constant 0 : index
    %get3A_4 = vector.load %arg1[%get3A_2, %get3A_3] : memref<128x128xf32, #tpu.memory_space<vmem>>, vector<128x128xf32>
    %dot_general3A = arith.constant dense<0.000000e+00> : vector<10112x128xf32>
    %dot_general3A_5 = tpu.matmul %get3A_1, %get3A_4, %dot_general3A {dimension_numbers = #tpu.dot_dimension_numbers<[1], [0], [0], [1], [0, 0, 1, 1], [], []>, transpose_lhs_hint = false} : vector<10112x128xf32>, vector<128x128xf32>, vector<10112x128xf32> -> vector<10112x128xf32>
    %slice3A = vector.extract_strided_slice %dot_general3A_5 {offsets = [0, 0], sizes = [10112, 64], strides = [1, 1]} : vector<10112x128xf32> to vector<10112x64xf32>
    %swap3A = arith.constant 0 : index
    %swap3A_6 = arith.constant 0 : index
    %swap3A_7 = vector.load %arg2[%swap3A, %swap3A_6] : memref<10112x80xf32, #tpu.memory_space<vmem>>, vector<10112x64xf32>
    tpu.vector_store %arg2[%swap3A, %swap3A_6], %slice3A {strides = array<i32>} : memref<10112x80xf32, #tpu.memory_space<vmem>>, vector<10112x64xf32>,
    %broadcast_in_dim3A = arith.constant 1.000000e+00 : f32
    %broadcast_in_dim3A_8 = vector.broadcast %broadcast_in_dim3A : f32 to vector<10112x16xf32>
    %swap3A_9 = arith.constant 0 : index
    %swap3A_10 = arith.constant 64 : index
    %swap3A_11 = vector.load %arg2[%swap3A_9, %swap3A_10] : memref<10112x80xf32, #tpu.memory_space<vmem>>, vector<10112x16xf32>
    tpu.vector_store %arg2[%swap3A_9, %swap3A_10], %broadcast_in_dim3A_8 {strides = array<i32>} : memref<10112x80xf32, #tpu.memory_space<vmem>>, vector<10112x16xf32>,
    %slice3A_12 = vector.extract_strided_slice %dot_general3A_5 {offsets = [0, 64], sizes = [10112, 64], strides = [1, 1]} : vector<10112x128xf32> to vector<10112x64xf32>
    %swap3A_13 = arith.constant 0 : index
    %swap3A_14 = arith.constant 0 : index
    %swap3A_15 = vector.load %arg3[%swap3A_13, %swap3A_14] : memref<10112x64xf32, #tpu.memory_space<vmem>>, vector<10112x64xf32>
    tpu.vector_store %arg3[%swap3A_13, %swap3A_14], %slice3A_12 {strides = array<i32>} : memref<10112x64xf32, #tpu.memory_space<vmem>>, vector<10112x64xf32>,
    return
  }
}

module attributes {stable_mosaic.version = 14 : i64} {
  func.func @body(%arg0: memref<2x10112x80xf32, #tpu.memory_space<vmem>>, %arg1: memref<10112x64xf32, #tpu.memory_space<vmem>>, %arg2: memref<1x64xf32, #tpu.memory_space<vmem>>, %arg3: memref<64x64xf32, #tpu.memory_space<vmem>>, %arg4: memref<10112x32xf32, #tpu.memory_space<vmem>>, %arg5: memref<10112x32xf32, #tpu.memory_space<vmem>>, %arg6: memref<10112x1xf32, #tpu.memory_space<vmem>>) attributes {dimension_semantics = [], scalar_prefetch = 0 : i64, scratch_operands = 0 : i64, tpu.core_type = #tpu.core_type<tc>} {
    %get3A = arith.constant 0 : index
    %get3A_0 = arith.constant 0 : index
    %get3A_1 = arith.constant 0 : index
    %get3A_2 = vector.load %arg0[%get3A, %get3A_0, %get3A_1] : memref<2x10112x80xf32, #tpu.memory_space<vmem>>, vector<2x10112x80xf32>
    %slice3A = vector.extract_strided_slice %get3A_2 {offsets = [0, 0, 64], sizes = [1, 10112, 1], strides = [1, 1, 1]} : vector<2x10112x80xf32> to vector<1x10112x1xf32>
    %squeeze3A = vector.shape_cast %slice3A : vector<1x10112x1xf32> to vector<10112x1xf32>
    %slice3A_3 = vector.extract_strided_slice %get3A_2 {offsets = [1, 0, 64], sizes = [1, 10112, 1], strides = [1, 1, 1]} : vector<2x10112x80xf32> to vector<1x10112x1xf32>
    %squeeze3A_4 = vector.shape_cast %slice3A_3 : vector<1x10112x1xf32> to vector<10112x1xf32>
    %add3A = arith.addf %squeeze3A, %squeeze3A_4 : vector<10112x1xf32>
    %max3A = arith.constant 1.000000e+00 : f32
    %max3A_5 = vector.broadcast %max3A : f32 to vector<10112x1xf32>
    %max3A_6 = arith.maximumf %add3A, %max3A_5 : vector<10112x1xf32>
    %div3A = arith.constant 1.000000e+00 : f32
    %div3A_7 = vector.broadcast %div3A : f32 to vector<10112x1xf32>
    %div3A_8 = arith.divf %div3A_7, %max3A_6 : vector<10112x1xf32>
    %slice3A_9 = vector.extract_strided_slice %get3A_2 {offsets = [0, 0, 0], sizes = [1, 10112, 64], strides = [1, 1, 1]} : vector<2x10112x80xf32> to vector<1x10112x64xf32>
    %squeeze3A_10 = vector.shape_cast %slice3A_9 : vector<1x10112x64xf32> to vector<10112x64xf32>
    %slice3A_11 = vector.extract_strided_slice %get3A_2 {offsets = [1, 0, 0], sizes = [1, 10112, 64], strides = [1, 1, 1]} : vector<2x10112x80xf32> to vector<1x10112x64xf32>
    %squeeze3A_12 = vector.shape_cast %slice3A_11 : vector<1x10112x64xf32> to vector<10112x64xf32>
    %add3A_13 = arith.addf %squeeze3A_10, %squeeze3A_12 : vector<10112x64xf32>
    %mul3A = vector.broadcast %div3A_8 : vector<10112x1xf32> to vector<10112x64xf32>
    %mul3A_14 = arith.mulf %add3A_13, %mul3A : vector<10112x64xf32>
    %get3A_15 = arith.constant 0 : index
    %get3A_16 = arith.constant 0 : index
    %get3A_17 = vector.load %arg2[%get3A_15, %get3A_16] : memref<1x64xf32, #tpu.memory_space<vmem>>, vector<1x64xf32>
    %add3A_18 = vector.broadcast %get3A_17 : vector<1x64xf32> to vector<10112x64xf32>
    %add3A_19 = arith.addf %mul3A_14, %add3A_18 : vector<10112x64xf32>
    %get3A_20 = arith.constant 0 : index
    %get3A_21 = arith.constant 0 : index
    %get3A_22 = vector.load %arg1[%get3A_20, %get3A_21] : memref<10112x64xf32, #tpu.memory_space<vmem>>, vector<10112x64xf32>
    %add3A_23 = arith.addf %add3A_19, %get3A_22 : vector<10112x64xf32>
    %max3A_24 = arith.constant 0.000000e+00 : f32
    %max3A_25 = vector.broadcast %max3A_24 : f32 to vector<10112x64xf32>
    %max3A_26 = arith.maximumf %add3A_23, %max3A_25 : vector<10112x64xf32>
    %get3A_27 = arith.constant 0 : index
    %get3A_28 = arith.constant 0 : index
    %get3A_29 = vector.load %arg3[%get3A_27, %get3A_28] : memref<64x64xf32, #tpu.memory_space<vmem>>, vector<64x64xf32>
    %dot_general3A = arith.constant dense<0.000000e+00> : vector<10112x64xf32>
    %dot_general3A_30 = tpu.matmul %max3A_26, %get3A_29, %dot_general3A {dimension_numbers = #tpu.dot_dimension_numbers<[1], [0], [0], [1], [0, 0, 1, 1], [], []>, transpose_lhs_hint = false} : vector<10112x64xf32>, vector<64x64xf32>, vector<10112x64xf32> -> vector<10112x64xf32>
    %slice3A_31 = vector.extract_strided_slice %dot_general3A_30 {offsets = [0, 0], sizes = [10112, 32], strides = [1, 1]} : vector<10112x64xf32> to vector<10112x32xf32>
    %swap3A = arith.constant 0 : index
    %swap3A_32 = arith.constant 0 : index
    %swap3A_33 = vector.load %arg4[%swap3A, %swap3A_32] : memref<10112x32xf32, #tpu.memory_space<vmem>>, vector<10112x32xf32>
    tpu.vector_store %arg4[%swap3A, %swap3A_32], %slice3A_31 {strides = array<i32>} : memref<10112x32xf32, #tpu.memory_space<vmem>>, vector<10112x32xf32>,
    %slice3A_34 = vector.extract_strided_slice %dot_general3A_30 {offsets = [0, 32], sizes = [10112, 32], strides = [1, 1]} : vector<10112x64xf32> to vector<10112x32xf32>
    %swap3A_35 = arith.constant 0 : index
    %swap3A_36 = arith.constant 0 : index
    %swap3A_37 = vector.load %arg5[%swap3A_35, %swap3A_36] : memref<10112x32xf32, #tpu.memory_space<vmem>>, vector<10112x32xf32>
    tpu.vector_store %arg5[%swap3A_35, %swap3A_36], %slice3A_34 {strides = array<i32>} : memref<10112x32xf32, #tpu.memory_space<vmem>>, vector<10112x32xf32>,
    %swap3A_38 = arith.constant 0 : index
    %swap3A_39 = arith.constant 0 : index
    %swap3A_40 = vector.load %arg6[%swap3A_38, %swap3A_39] : memref<10112x1xf32, #tpu.memory_space<vmem>>, vector<10112x1xf32>
    tpu.vector_store %arg6[%swap3A_38, %swap3A_39], %div3A_8 {strides = array<i32>} : memref<10112x1xf32, #tpu.memory_space<vmem>>, vector<10112x1xf32>,
    return
  }
}

module attributes {stable_mosaic.version = 14 : i64} {
  func.func @body(%arg0: memref<2x10112x32xf32, #tpu.memory_space<vmem>>, %arg1: memref<10112x1xf32, #tpu.memory_space<vmem>>, %arg2: memref<10112x32xf32, #tpu.memory_space<vmem>>, %arg3: memref<1x32xf32, #tpu.memory_space<vmem>>, %arg4: memref<10112x32xbf16, #tpu.memory_space<vmem>>) attributes {dimension_semantics = [], scalar_prefetch = 0 : i64, scratch_operands = 0 : i64, tpu.core_type = #tpu.core_type<tc>} {
    %get3A = arith.constant 0 : index
    %get3A_0 = arith.constant 0 : index
    %get3A_1 = arith.constant 0 : index
    %get3A_2 = vector.load %arg0[%get3A, %get3A_0, %get3A_1] : memref<2x10112x32xf32, #tpu.memory_space<vmem>>, vector<2x10112x32xf32>
    %slice3A = vector.extract_strided_slice %get3A_2 {offsets = [0, 0, 0], sizes = [1, 10112, 32], strides = [1, 1, 1]} : vector<2x10112x32xf32> to vector<1x10112x32xf32>
    %squeeze3A = vector.shape_cast %slice3A : vector<1x10112x32xf32> to vector<10112x32xf32>
    %slice3A_3 = vector.extract_strided_slice %get3A_2 {offsets = [1, 0, 0], sizes = [1, 10112, 32], strides = [1, 1, 1]} : vector<2x10112x32xf32> to vector<1x10112x32xf32>
    %squeeze3A_4 = vector.shape_cast %slice3A_3 : vector<1x10112x32xf32> to vector<10112x32xf32>
    %add3A = arith.addf %squeeze3A, %squeeze3A_4 : vector<10112x32xf32>
    %get3A_5 = arith.constant 0 : index
    %get3A_6 = arith.constant 0 : index
    %get3A_7 = vector.load %arg1[%get3A_5, %get3A_6] : memref<10112x1xf32, #tpu.memory_space<vmem>>, vector<10112x1xf32>
    %mul3A = vector.broadcast %get3A_7 : vector<10112x1xf32> to vector<10112x32xf32>
    %mul3A_8 = arith.mulf %add3A, %mul3A : vector<10112x32xf32>
    %get3A_9 = arith.constant 0 : index
    %get3A_10 = arith.constant 0 : index
    %get3A_11 = vector.load %arg3[%get3A_9, %get3A_10] : memref<1x32xf32, #tpu.memory_space<vmem>>, vector<1x32xf32>
    %add3A_12 = vector.broadcast %get3A_11 : vector<1x32xf32> to vector<10112x32xf32>
    %add3A_13 = arith.addf %mul3A_8, %add3A_12 : vector<10112x32xf32>
    %get3A_14 = arith.constant 0 : index
    %get3A_15 = arith.constant 0 : index
    %get3A_16 = vector.load %arg2[%get3A_14, %get3A_15] : memref<10112x32xf32, #tpu.memory_space<vmem>>, vector<10112x32xf32>
    %add3A_17 = arith.addf %add3A_13, %get3A_16 : vector<10112x32xf32>
    %convert_element_type3A = arith.truncf %add3A_17 : vector<10112x32xf32> to vector<10112x32xbf16>
    %swap3A = arith.constant 0 : index
    %swap3A_18 = arith.constant 0 : index
    %swap3A_19 = vector.load %arg4[%swap3A, %swap3A_18] : memref<10112x32xbf16, #tpu.memory_space<vmem>>, vector<10112x32xbf16>
    tpu.vector_store %arg4[%swap3A, %swap3A_18], %convert_element_type3A {strides = array<i32>} : memref<10112x32xbf16, #tpu.memory_space<vmem>>, vector<10112x32xbf16>,
    return
  }
}

module attributes {stable_mosaic.version = 14 : i64} {
  func.func @body(%arg0: i32, %arg1: memref<2048x32xbf16, #tpu.memory_space<vmem>>, %arg2: memref<2048x32xbf16, #tpu.memory_space<vmem>>, %arg3: memref<2048x8xf32, #tpu.memory_space<vmem>>, %arg4: memref<128x64xf32, #tpu.memory_space<vmem>>, %arg5: memref<8x64xf32, #tpu.memory_space<vmem>>, %arg6: memref<1x64xf32, #tpu.memory_space<vmem>>, %arg7: memref<64x32xf32, #tpu.memory_space<vmem>>, %arg8: memref<1x32xf32, #tpu.memory_space<vmem>>, %arg9: memref<32x8xf32, #tpu.memory_space<vmem>>, %arg10: memref<1x8xf32, #tpu.memory_space<vmem>>, %arg11: memref<2048x8xf32, #tpu.memory_space<vmem>>) attributes {dimension_semantics = [#tpu.dimension_semantics<arbitrary>], iteration_bounds = array<i64: 52>, scalar_prefetch = 0 : i64, scratch_operands = 0 : i64, tpu.core_type = #tpu.core_type<tc>, window_params = [{transform_indices = @transform_0, window_bounds = array<i64: 2048, 32>}, {transform_indices = @transform_1, window_bounds = array<i64: 2048, 32>}, {transform_indices = @transform_2, window_bounds = array<i64: 2048, 8>}, {pipeline_mode = #tpu.pipeline_mode<synchronous>, transform_indices = @transform_3, window_bounds = array<i64: 128, 64>}, {pipeline_mode = #tpu.pipeline_mode<synchronous>, transform_indices = @transform_4, window_bounds = array<i64: 8, 64>}, {pipeline_mode = #tpu.pipeline_mode<synchronous>, transform_indices = @transform_5, window_bounds = array<i64: 1, 64>}, {pipeline_mode = #tpu.pipeline_mode<synchronous>, transform_indices = @transform_6, window_bounds = array<i64: 64, 32>}, {pipeline_mode = #tpu.pipeline_mode<synchronous>, transform_indices = @transform_7, window_bounds = array<i64: 1, 32>}, {pipeline_mode = #tpu.pipeline_mode<synchronous>, transform_indices = @transform_8, window_bounds = array<i64: 32, 8>}, {pipeline_mode = #tpu.pipeline_mode<synchronous>, transform_indices = @transform_9, window_bounds = array<i64: 1, 8>}, {transform_indices = @transform_10, window_bounds = array<i64: 2048, 8>}]} {
    %get3A = arith.constant 0 : index
    %get3A_0 = arith.constant 0 : index
    %get3A_1 = vector.load %arg1[%get3A, %get3A_0] : memref<2048x32xbf16, #tpu.memory_space<vmem>>, vector<2048x32xbf16>
    %convert_element_type3A = arith.extf %get3A_1 : vector<2048x32xbf16> to vector<2048x32xf32>
    %get3A_2 = arith.constant 0 : index
    %get3A_3 = arith.constant 0 : index
    %get3A_4 = vector.load %arg2[%get3A_2, %get3A_3] : memref<2048x32xbf16, #tpu.memory_space<vmem>>, vector<2048x32xbf16>
    %convert_element_type3A_5 = arith.extf %get3A_4 : vector<2048x32xbf16> to vector<2048x32xf32>
    %sub3A = arith.subf %convert_element_type3A, %convert_element_type3A_5 : vector<2048x32xf32>
    %abs3A = math.absf %sub3A : vector<2048x32xf32>
    %mul3A = arith.mulf %convert_element_type3A, %convert_element_type3A_5 : vector<2048x32xf32>
    %get3A_6 = arith.constant 0 : index
    %get3A_7 = arith.constant 0 : index
    %get3A_8 = vector.load %arg4[%get3A_6, %get3A_7] : memref<128x64xf32, #tpu.memory_space<vmem>>, vector<32x64xf32>
    %dot_general3A = arith.constant dense<0.000000e+00> : vector<2048x64xf32>
    %dot_general3A_9 = tpu.matmul %convert_element_type3A, %get3A_8, %dot_general3A {dimension_numbers = #tpu.dot_dimension_numbers<[1], [0], [0], [1], [0, 0, 1, 1], [], []>, transpose_lhs_hint = false} : vector<2048x32xf32>, vector<32x64xf32>, vector<2048x64xf32> -> vector<2048x64xf32>
    %get3A_10 = arith.constant 32 : index
    %get3A_11 = arith.constant 0 : index
    %get3A_12 = vector.load %arg4[%get3A_10, %get3A_11] : memref<128x64xf32, #tpu.memory_space<vmem>>, vector<32x64xf32>
    %dot_general3A_13 = arith.constant dense<0.000000e+00> : vector<2048x64xf32>
    %dot_general3A_14 = tpu.matmul %convert_element_type3A_5, %get3A_12, %dot_general3A_13 {dimension_numbers = #tpu.dot_dimension_numbers<[1], [0], [0], [1], [0, 0, 1, 1], [], []>, transpose_lhs_hint = false} : vector<2048x32xf32>, vector<32x64xf32>, vector<2048x64xf32> -> vector<2048x64xf32>
    %add3A = arith.addf %dot_general3A_9, %dot_general3A_14 : vector<2048x64xf32>
    %get3A_15 = arith.constant 64 : index
    %get3A_16 = arith.constant 0 : index
    %get3A_17 = vector.load %arg4[%get3A_15, %get3A_16] : memref<128x64xf32, #tpu.memory_space<vmem>>, vector<32x64xf32>
    %dot_general3A_18 = arith.constant dense<0.000000e+00> : vector<2048x64xf32>
    %dot_general3A_19 = tpu.matmul %abs3A, %get3A_17, %dot_general3A_18 {dimension_numbers = #tpu.dot_dimension_numbers<[1], [0], [0], [1], [0, 0, 1, 1], [], []>, transpose_lhs_hint = false} : vector<2048x32xf32>, vector<32x64xf32>, vector<2048x64xf32> -> vector<2048x64xf32>
    %add3A_20 = arith.addf %add3A, %dot_general3A_19 : vector<2048x64xf32>
    %get3A_21 = arith.constant 96 : index
    %get3A_22 = arith.constant 0 : index
    %get3A_23 = vector.load %arg4[%get3A_21, %get3A_22] : memref<128x64xf32, #tpu.memory_space<vmem>>, vector<32x64xf32>
    %dot_general3A_24 = arith.constant dense<0.000000e+00> : vector<2048x64xf32>
    %dot_general3A_25 = tpu.matmul %mul3A, %get3A_23, %dot_general3A_24 {dimension_numbers = #tpu.dot_dimension_numbers<[1], [0], [0], [1], [0, 0, 1, 1], [], []>, transpose_lhs_hint = false} : vector<2048x32xf32>, vector<32x64xf32>, vector<2048x64xf32> -> vector<2048x64xf32>
    %add3A_26 = arith.addf %add3A_20, %dot_general3A_25 : vector<2048x64xf32>
    %get3A_27 = arith.constant 0 : index
    %get3A_28 = arith.constant 0 : index
    %get3A_29 = vector.load %arg3[%get3A_27, %get3A_28] : memref<2048x8xf32, #tpu.memory_space<vmem>>, vector<2048x8xf32>
    %get3A_30 = arith.constant 0 : index
    %get3A_31 = arith.constant 0 : index
    %get3A_32 = vector.load %arg5[%get3A_30, %get3A_31] : memref<8x64xf32, #tpu.memory_space<vmem>>, vector<8x64xf32>
    %dot_general3A_33 = arith.constant dense<0.000000e+00> : vector<2048x64xf32>
    %dot_general3A_34 = tpu.matmul %get3A_29, %get3A_32, %dot_general3A_33 {dimension_numbers = #tpu.dot_dimension_numbers<[1], [0], [0], [1], [0, 0, 1, 1], [], []>, transpose_lhs_hint = false} : vector<2048x8xf32>, vector<8x64xf32>, vector<2048x64xf32> -> vector<2048x64xf32>
    %add3A_35 = arith.addf %add3A_26, %dot_general3A_34 : vector<2048x64xf32>
    %get3A_36 = arith.constant 0 : index
    %get3A_37 = arith.constant 0 : index
    %get3A_38 = vector.load %arg6[%get3A_36, %get3A_37] : memref<1x64xf32, #tpu.memory_space<vmem>>, vector<1x64xf32>
    %add3A_39 = vector.broadcast %get3A_38 : vector<1x64xf32> to vector<2048x64xf32>
    %add3A_40 = arith.addf %add3A_35, %add3A_39 : vector<2048x64xf32>
    %max3A = arith.constant 0.000000e+00 : f32
    %max3A_41 = vector.broadcast %max3A : f32 to vector<2048x64xf32>
    %max3A_42 = arith.maximumf %add3A_40, %max3A_41 : vector<2048x64xf32>
    %get3A_43 = arith.constant 0 : index
    %get3A_44 = arith.constant 0 : index
    %get3A_45 = vector.load %arg7[%get3A_43, %get3A_44] : memref<64x32xf32, #tpu.memory_space<vmem>>, vector<64x32xf32>
    %dot_general3A_46 = arith.constant dense<0.000000e+00> : vector<2048x32xf32>
    %dot_general3A_47 = tpu.matmul %max3A_42, %get3A_45, %dot_general3A_46 {dimension_numbers = #tpu.dot_dimension_numbers<[1], [0], [0], [1], [0, 0, 1, 1], [], []>, transpose_lhs_hint = false} : vector<2048x64xf32>, vector<64x32xf32>, vector<2048x32xf32> -> vector<2048x32xf32>
    %get3A_48 = arith.constant 0 : index
    %get3A_49 = arith.constant 0 : index
    %get3A_50 = vector.load %arg8[%get3A_48, %get3A_49] : memref<1x32xf32, #tpu.memory_space<vmem>>, vector<1x32xf32>
    %add3A_51 = vector.broadcast %get3A_50 : vector<1x32xf32> to vector<2048x32xf32>
    %add3A_52 = arith.addf %dot_general3A_47, %add3A_51 : vector<2048x32xf32>
    %max3A_53 = arith.constant 0.000000e+00 : f32
    %max3A_54 = vector.broadcast %max3A_53 : f32 to vector<2048x32xf32>
    %max3A_55 = arith.maximumf %add3A_52, %max3A_54 : vector<2048x32xf32>
    %get3A_56 = arith.constant 0 : index
    %get3A_57 = arith.constant 0 : index
    %get3A_58 = vector.load %arg9[%get3A_56, %get3A_57] : memref<32x8xf32, #tpu.memory_space<vmem>>, vector<32x8xf32>
    %dot_general3A_59 = arith.constant dense<0.000000e+00> : vector<2048x8xf32>
    %dot_general3A_60 = tpu.matmul %max3A_55, %get3A_58, %dot_general3A_59 {dimension_numbers = #tpu.dot_dimension_numbers<[1], [0], [0], [1], [0, 0, 1, 1], [], []>, transpose_lhs_hint = false} : vector<2048x32xf32>, vector<32x8xf32>, vector<2048x8xf32> -> vector<2048x8xf32>
    %get3A_61 = arith.constant 0 : index
    %get3A_62 = arith.constant 0 : index
    %get3A_63 = vector.load %arg10[%get3A_61, %get3A_62] : memref<1x8xf32, #tpu.memory_space<vmem>>, vector<1x8xf32>
    %add3A_64 = vector.broadcast %get3A_63 : vector<1x8xf32> to vector<2048x8xf32>
    %add3A_65 = arith.addf %dot_general3A_60, %add3A_64 : vector<2048x8xf32>
    %swap3A = arith.constant 0 : index
    %swap3A_66 = arith.constant 0 : index
    %swap3A_67 = vector.load %arg11[%swap3A, %swap3A_66] : memref<2048x8xf32, #tpu.memory_space<vmem>>, vector<2048x8xf32>
    tpu.vector_store %arg11[%swap3A, %swap3A_66], %add3A_65 {strides = array<i32>} : memref<2048x8xf32, #tpu.memory_space<vmem>>, vector<2048x8xf32>,
    return
  }
  func.func @transform_0(%arg0: i32) -> (i32, i32) {
    %c0_i32 = arith.constant 0 : i32
    %c0_i32_0 = arith.constant 0 : i32
    return %arg0, %c0_i32 : i32, i32
  }
  func.func @transform_1(%arg0: i32) -> (i32, i32) {
    %c0_i32 = arith.constant 0 : i32
    %c0_i32_0 = arith.constant 0 : i32
    return %arg0, %c0_i32 : i32, i32
  }
  func.func @transform_2(%arg0: i32) -> (i32, i32) {
    %c0_i32 = arith.constant 0 : i32
    %c0_i32_0 = arith.constant 0 : i32
    return %arg0, %c0_i32 : i32, i32
  }
  func.func @transform_3(%arg0: i32) -> (i32, i32) {
    %c0_i32 = arith.constant 0 : i32
    %c0_i32_0 = arith.constant 0 : i32
    %c0_i32_1 = arith.constant 0 : i32
    return %c0_i32, %c0_i32_0 : i32, i32
  }
  func.func @transform_4(%arg0: i32) -> (i32, i32) {
    %c0_i32 = arith.constant 0 : i32
    %c0_i32_0 = arith.constant 0 : i32
    %c0_i32_1 = arith.constant 0 : i32
    return %c0_i32, %c0_i32_0 : i32, i32
  }
  func.func @transform_5(%arg0: i32) -> (i32, i32) {
    %c0_i32 = arith.constant 0 : i32
    %c0_i32_0 = arith.constant 0 : i32
    %c0_i32_1 = arith.constant 0 : i32
    return %c0_i32, %c0_i32_0 : i32, i32
  }
  func.func @transform_6(%arg0: i32) -> (i32, i32) {
    %c0_i32 = arith.constant 0 : i32
    %c0_i32_0 = arith.constant 0 : i32
    %c0_i32_1 = arith.constant 0 : i32
    return %c0_i32, %c0_i32_0 : i32, i32
  }
  func.func @transform_7(%arg0: i32) -> (i32, i32) {
    %c0_i32 = arith.constant 0 : i32
    %c0_i32_0 = arith.constant 0 : i32
    %c0_i32_1 = arith.constant 0 : i32
    return %c0_i32, %c0_i32_0 : i32, i32
  }
  func.func @transform_8(%arg0: i32) -> (i32, i32) {
    %c0_i32 = arith.constant 0 : i32
    %c0_i32_0 = arith.constant 0 : i32
    %c0_i32_1 = arith.constant 0 : i32
    return %c0_i32, %c0_i32_0 : i32, i32
  }
  func.func @transform_9(%arg0: i32) -> (i32, i32) {
    %c0_i32 = arith.constant 0 : i32
    %c0_i32_0 = arith.constant 0 : i32
    %c0_i32_1 = arith.constant 0 : i32
    return %c0_i32, %c0_i32_0 : i32, i32
  }
  func.func @transform_10(%arg0: i32) -> (i32, i32) {
    %c0_i32 = arith.constant 0 : i32
    %c0_i32_0 = arith.constant 0 : i32
    return %arg0, %c0_i32 : i32, i32
  }
}

</mosaic_0001>

<sc_bundles>
// kernel: kernel.12.cloned.1.call-start
scs
__scs_entry_jumppad:
0x0: {  	(pc) =	sbr.rel $0x88, $3  }
0x1: {  	(tag) =	ssettag $0x0;
	lr =	simm.s32 $0x1  }
0x2: {  	[smem:$0x3F91] =	sst lr;
	_ =	strace $0xD0000000  }
0x3: {  	_ = 	snop  }
0x4: {  	_ = 	snop  }
0x5: {  	_ = 	snop  }
0x6: {  	_ = 	snop  }
0x7: {  	_ = 	snop  }
__scs_overlays_trampoline_lowered:
0x8: {  	[smem:$0x3FA0] =	sst s0  }
0x9: {  	[smem:$0x3FA1] =	sst s1  }
0xa: {  	[smem:$0x3FA2] =	sst s2  }
0xb: {  	[smem:$0x3FA3] =	sst s3  }
0xc: {  	[smem:$0x3FA4] =	sst s4  }
0xd: {  	[smem:$0x3FA5] =	sst s5  }
0xe: {  	[smem:$0x3FA6] =	sst s6  }
0xf: {  	[smem:$0x3FA7] =	sst s7  }
0x10: {  	[smem:$0x3FA8] =	sst s8  }
0x11: {  	[smem:$0x3FA9] =	sst s9;
	s0 =	simm.s32 @!p0 $0x0  }
0x12: {  	s1 =	sld [smem:$0x3F8F];
	s0 =	simm.s32 @p0 $0x1  }
0x13: {  	[smem:$0x3FAA] =	sst s0;
	s0 =	simm.s32 @!p1 $0x0  }
0x14: {  	s2 =	sld [smem:$0x3F8E];
	s0 =	simm.s32 @p1 $0x1  }
0x15: {  	[smem:$0x3FAB] =	sst s0;
	s0 =	simm.s32 @!p2 $0x0  }
0x16: {  	s3 =	sld [smem:$0x3FDB];
	s0 =	simm.s32 @p2 $0x1  }
0x17: {  	s4 =	simm.s32 $0x1BF5;
	[smem:$0x3FAD] =	sst s0  }
0x18: {  	s0 =	sld [smem:$0x3F90];
	_ =	swait.ge [sflag:s4], $0x0  }
0x19: {  	s7 =	sld [smem:$0x3F91]  }
0x1a: {  	s8 =	sadd.s32 $0xFFFFE003, lr  }
0x1b: {  	s9 =	sadd.s32 $0xFFFFFEF7, lr;
	s5 =	simm.s32 $0xFFFFFFFF;
	p2 =	slt.u32 s8, $0xFFFFF086  }
0x1c: {  	p1 =	slt.u32 s9, $0xF7A;
	s5 =	simm.s32 @!p2 $0x0  }
0x1d: {  	s5 =	simm.s32 @p1 $0x1;
	p0 =	seq.s32 s7, s2  }
0x1e: {  	s7 =	smul.u32 @!p0 $0xF7A, s2;
	p2 =	seq.s32 @!p0 s5, $0x0  }
0x1f: {  	s9 =	smul.u32 $0xF7A, s1;
	s8 =	simm.s32 @!p0 $0x1BF5;
	p2 =	por !p2, p0  }
0x20: {  	[sflag:s8] =	ssyncset.s32 @!p0 $0xFFFFF086;
	s6 =	sadd.s32 @!p0 s3, s7;
	s7 =	simm.s32 @!p0 $0x108  }
0x21: {  	s3 =	sadd.s32 s3, s9;
	s6 =	sadd.s32 @!p0 $0x88, s6;
	s7 =	simm.s32 @p2 $0x1082  }
0x22: {  	[simem:s7], [sflag:s8] =	dma.local @!p0 [hbm:s6], $0xF7A  }
0x23: {  	s9 =	sor.u32 $0xD0000000, s2;
	s6 =	simm.s32 $0x108;
	_ =	swait.ge @!p0 [sflag:s8], $0x0  }
0x24: {  	s3 =	sadd.s32 $0x88, s3;
	s6 =	simm.s32 @!p1 $0x1082;
	[sflag:s4] =	ssyncset.s32 $0xFFFFF086  }
0x25: {  	[simem:s6], [sflag:s4] =	dma.local [hbm:s3], $0xF7A  }
0x26: {  	[smem:$0x3F91] =	sst s1;
	(tag) =	ssettag s2;
	_ =	strace s9  }
0x27: {  	s1 =	sld [smem:$0x3FA1]  }
0x28: {  	s2 =	sld [smem:$0x3FA2]  }
0x29: {  	s4 =	sld [smem:$0x3FA4]  }
0x2a: {  	p0 =	seq.s32 s5, $0x0;
	s5 =	sld [smem:$0x3FA5]  }
0x2b: {  	s6 =	sld [smem:$0x3FA6]  }
0x2c: {  	s7 =	sld [smem:$0x3FA7]  }
0x2d: {  	s3 =	simm.s32 $0x108;
	s8 =	sld [smem:$0x3FA8]  }
0x2e: {  	s3 =	simm.s32 @!p0 $0x1082;
	s9 =	sld [smem:$0x3FA9]  }
0x2f: {  	lr =	sadd.s32 s0, s3;
	s0 =	sld [smem:$0x3FA0]  }
0x30: {  	s3 =	sld [smem:$0x3FA3]  }
0x31: {  	[smem:$0x3FAC] =	sst s10  }
0x32: {  	s10 =	sld [smem:$0x3FAA];
	_ =	sdelay $0x3  }
0x33: {  	p0 =	seq.s32 s10, $0x1;
	s10 =	sld [smem:$0x3FAC];
	_ =	sdelay $0x3  }
0x34: {  	[smem:$0x3FAC] =	sst s10  }
0x35: {  	s10 =	sld [smem:$0x3FAB];
	_ =	sdelay $0x3  }
0x36: {  	p1 =	seq.s32 s10, $0x1;
	s10 =	sld [smem:$0x3FAC];
	_ =	sdelay $0x3  }
0x37: {  	[smem:$0x3FAC] =	sst s10  }
0x38: {  	s10 =	sld [smem:$0x3FAD]  }
0x39: {  	_ = 	snop;
	(pc) =	sbr.ind lr, $3  }
0x3a: {  	_ = 	snop  }
0x3b: {  	_ = 	snop  }
0x3c: {  	p2 =	seq.s32 s10, $0x1;
	s10 =	sld [smem:$0x3FAC]  }
0x3d: {  	_ =	shalt  }
0x3e: {  	_ =	shalt  }
0x3f: {  	_ =	shalt  }
0x40: {  	_ =	shalt  }
0x41: {  	_ =	shalt  }
0x42: {  	_ =	shalt  }
0x43: {  	_ =	shalt  }
0x44: {  	_ =	shalt  }
0x45: {  	_ =	shalt  }
0x46: {  	_ =	shalt  }
0x47: {  	_ =	shalt  }
0x48: {  	_ =	shalt  }
0x49: {  	_ =	shalt  }
0x4a: {  	_ =	shalt  }
0x4b: {  	_ =	shalt  }
0x4c: {  	_ =	shalt  }
0x4d: {  	_ =	shalt  }
0x4e: {  	_ =	shalt  }
0x4f: {  	_ =	shalt  }
0x50: {  	_ =	shalt  }
0x51: {  	_ =	shalt  }
0x52: {  	_ =	shalt  }
0x53: {  	_ =	shalt  }
0x54: {  	_ =	shalt  }
0x55: {  	_ =	shalt  }
0x56: {  	_ =	shalt  }
0x57: {  	_ =	shalt  }
0x58: {  	_ =	shalt  }
0x59: {  	_ =	shalt  }
0x5a: {  	_ =	shalt  }
0x5b: {  	_ =	shalt  }
0x5c: {  	_ =	shalt  }
0x5d: {  	_ =	shalt  }
0x5e: {  	_ =	shalt  }
0x5f: {  	_ =	shalt  }
0x60: {  	_ =	shalt  }
0x61: {  	_ =	shalt  }
0x62: {  	_ =	shalt  }
0x63: {  	_ =	shalt  }
0x64: {  	_ =	shalt  }
0x65: {  	_ =	shalt  }
0x66: {  	_ =	shalt  }
0x67: {  	_ =	shalt  }
0x68: {  	_ =	shalt  }
0x69: {  	_ =	shalt  }
0x6a: {  	_ =	shalt  }
0x6b: {  	_ =	shalt  }
0x6c: {  	_ =	shalt  }
0x6d: {  	_ =	shalt  }
0x6e: {  	_ =	shalt  }
0x6f: {  	_ =	shalt  }
0x70: {  	_ =	shalt  }
0x71: {  	_ =	shalt  }
0x72: {  	_ =	shalt  }
0x73: {  	_ =	shalt  }
0x74: {  	_ =	shalt  }
0x75: {  	_ =	shalt  }
0x76: {  	_ =	shalt  }
0x77: {  	_ =	shalt  }
0x78: {  	_ =	shalt  }
0x79: {  	_ =	shalt  }
0x7a: {  	_ =	shalt  }
0x7b: {  	_ =	shalt  }
0x7c: {  	_ =	shalt  }
0x7d: {  	_ =	shalt  }
0x7e: {  	_ =	shalt  }
0x7f: {  	_ =	shalt  }
0x80: {  	_ =	shalt  }
0x81: {  	_ =	shalt  }
0x82: {  	_ =	shalt  }
0x83: {  	_ =	shalt  }
0x84: {  	_ =	shalt  }
0x85: {  	_ =	shalt  }
0x86: {  	_ =	shalt  }
0x87: {  	_ =	shalt  }
.Lfunc_end0:
.L_simem_size_0:
called_computation.1_lowered:
.L_overlay_start_0:
0x88: {  	s2 =	sld [smem:$0x3FD9]  }
0x89: {  	s3 =	sld [smem:$0x3FFE];
	_ =	sdelay $0x1  }
0x8a: {  	s1 =	srdreg.scid  }
0x8b: {  	s0 =	sand.u32 $0x1, s1  }
0x8c: {  	s16 =	sshll.u32 s0, $0xA;
	s2 =	sadd.s32 s3, s2  }
0x8d: {  	s2 =	sadd.s32 s2, s16  }
0x8e: {  	[smem:$0x3FB8] =	sst s2  }
0x8f: {  	_ = 	snop  }
0x90: {  	(tm) =	ssettm $0x1  }
0x91: {  	s17 =	sld [smem:$0x3FFB];
	_ =	sdelay $0x3  }
0x92: {  	_ =	strace s17  }
0x93: {  	s2 =	sld [smem:$0x3FFC];
	_ =	sdelay $0x3  }
0x94: {  	_ =	strace s2  }
0x95: {  	s2 =	sld [smem:$0x3FFD];
	_ =	sdelay $0x3  }
0x96: {  	_ =	strace s2  }
0x97: {  	_ =	strace $0x8FFFFFFF  }
0x98: {  	s18 =	sld [smem:$0x3FDB];
	_ =	sdelay $0x1  }
0x99: {  	s19 =	simm.s32 $_scs_section_size  }
0x9a: {  	s4 =	simm.s32 $_size__tile_overlayer_lowered;
	s5 =	simm.s32 $_tile_overlayer_lowered  }
0x9b: {  	s22 =	simm.s32 $0x1BFF;
	s21 =	sshll.u32 s5, $0x1;
	s2 =	sadd.s32 s19, s18  }
0x9c: {  	s6 =	simm.s32 $0x0;
	s20 =	sshll.u32 s4, $0x1;
	s4 =	sadd.s32 s21, s2  }
0x9d: {  	[timem:s6], [sflag:s22] =	dma.local [hbm:s4], s20  }
0x9e: {  	_ =	swait.ge [sflag:s22], s20  }
0x9f: {  	s3 =	ssub.s32 $0x0, s20;
	[sflag:s22] =	ssyncset.done $0x0  }
0xa0: {  	[sflag:s22] =	ssyncadd.s32 s3;
	_ =	sdelay $0x1  }
0xa1: {  	s23 =	simm.s32 $0x1B8B  }
0xa2: {  	_ =	swait.ge [sflag:s23], $0x1  }
0xa3: {  	[sflag:s23] =	ssyncset.done $0x0  }
0xa4: {  	s25 =	simm.s32 $0x1B8E;
	s24 =	sld [smem:$0x3FFE];
	[sflag:s23] =	ssyncadd.s32 $0xFFFFFFFF  }
0xa5: {  	s26 =	simm.s32 $execute0_lowered;
	[smem:$0x3FD2] =	sst s25  }
0xa6: {  	s4 =	sshll.u32 s26, $0x1;
	_ =	strace $0x80000049;
	[dreg:$0x1] =	wrdreg $0xFFFFFFFF  }
0xa7: {  	s28 =	simm.s32 $_size_execute0_lowered;
	s2 =	sadd.s32 s2, s4;
	[dreg:$0x0] =	wrdreg $0x0  }
0xa8: {  	s4 =	sshll.u32 s28, $0x1;
	[dreg:$0x2] =	wrdreg s2  }
0xa9: {  	[dreg:$0x3] =	wrdreg s4  }
0xaa: {  	[dreg:$0x4] =	wrdreg $0xC0  }
0xab: {  	_ =	task [dreg:s6], $0x5FFFF  }
0xac: {  	[dreg:$0x1] =	wrdreg $0xFFFFFFFF  }
0xad: {  	[dreg:$0x0] =	wrdreg $0x60  }
0xae: {  	[dreg:$0x2] =	wrdreg s24  }
0xaf: {  	[dreg:$0x3] =	wrdreg $0x70000  }
0xb0: {  	[dreg:$0x4] =	wrdreg $0x9  }
0xb1: {  	_ =	task.clear_ibuf [dreg:s6], $0x5FFFF;
	_ =	strace $0x90000049  }
0xb2: {  	s29 =	simm.s32 $0x9;
	_ =	strace $0x8000004B  }
0xb3: {  	_ =	swait.ge [sflag:s29], $0x1  }
0xb4: {  	[sflag:s29] =	ssyncadd.s32 $0xFFFFFFFF  }
0xb5: {  	_ =	strace $0x9000004B  }
0xb6: {  	_ =	sfence  }
0xb7: {  	s30 =	sld [smem:$0x0];
	_ =	sdelay $0x2  }
0xb8: {  	s31 =	sshll.u32 s1, $0xD;
	s1 =	sshrl.u32 s1, $0x2  }
0xb9: {  	s3 =	sand.u32 $0x4000, s31;
	s1 =	sadd.s32 s1, s30  }
0xba: {  	s0 =	sor.u32 s3, s0;
	s1 =	sshll.u32 s1, $0x11  }
0xbb: {  	s0 =	sor.u32 s1, s0  }
0xbc: {  	s0 =	sadd.s32 $0x8F2B, s0  }
0xbd: {  	[sflag:s0] =	ssyncadd.remote.s32 $0x1  }
0xbe: {  	_ =	sfence.sel $0xFFFF  }
0xbf: {  	[dreg:$0x0] =	wrdreg $0xFFFFFFFF;
	(pc) =	sbr.abs _section_cstart, $3  }
0xc0: {  	[dreg:$0x1] =	wrdreg $0xFFFFFFFF  }
0xc1: {  	_ =	task.clear_ibuf [dreg:s6], $0x2FFFF;
	_ =	strace $0x9FFFFFFF  }
0xc2: {  	(tm) =	ssettm $0x7FFFFFFF  }
0xc3: {  	_ =	shalt  }
tec
execute0_lowered:
.L_overlay_start_1:
0x0: {  	(tag) =	ssettag $0x1  }
0x1: {  	s6 =	rddreg [dreg:$0x0]  }
0x2: {  	s0 =	srdreg.scid;
	s2 =	rddreg [dreg:$0x1];
	s3 =	simm.s32 $0x0  }
0x3: {  	s13 =	simm.s32 $0x2800;
	s14 =	simm.s32 $0x80;
	s15 =	simm.s32 $0x5000  }
0x4: {  	s16 =	simm.s32 $0x6000;
	s17 =	simm.s32 $0x1;
	s18 =	simm.s32 $0x2  }
0x5: {  	s19 =	simm.s32 $0x4F00;
	s20 =	simm.s32 $0x4F80;
	s21 =	simm.s32 $0x0  }
0x6: {  	s5 =	sand.u32 $0x1, s0;
	s0 =	stileid.u32;
	[smem:$0x7FF] =	sst s3  }
0x7: {  	s4 =	sadd.s32 $0x16000, s6;
	s1 =	sshll.u32 s5, $0x4;
	s8 =	smul.u32 $0x4F00, s0  }
0x8: {  	s9 =	smul.u32 $0x4F000, s5;
	s5 =	ssub.s32 $0x2, s5;
	s1 =	sor.u32 s0, s1  }
0x9: {  	s31 =	sshll.u32 s0, $0x6;
	s11 =	sshrl.u32 s5, $0x1;
	s7 =	smul.u32 $0x500, s1  }
0xa: {  	s1 =	rddreg [dreg:$0x2];
	_ =	strace $0x8000004A;
	s30 =	sshrl.u32 s8, $0x3  }
0xb: {  	s9 =	sadd.s32 s8, s9;
	s11 =	ssub.s32 s5, s11;
	s12 =	sadd.s32 s8, s2  }
0xc: {  	s9 =	sshrl.u32 s9, $0x3;
	s10 =	sadd.s32 s7, s6;
	s7 =	sadd.s32 s30, s6  }
0xd: {  	s9 =	sadd.s32 s9, s6;
	s6 =	sor.u32 $0x1C03, s31;
	s5 =	sadd.s32 $0x1FE00, s7  }
0xe: {  	s7 =	sadd.s32 $0xC000, s10;
	s8 =	sadd.s32 $0x2000, s10;
	s9 =	sadd.s32 $0x29C00, s9  }
0xf: {  	s10 =	smax.u32 s11, $0x1;
	s11 =	sshrl.u32 s12, $0x3;
	s12 =	simm.s32 $0x3  }
.LBB2_1:
0x10: {  	[spmem:s11], [sflag:s6] =	dma.local [hbm:s5], $0x9E0  }
0x11: {  	_ =	swait.ge [sflag:s12], $0x9E0  }
0x12: {  	[sflag:s12] =	ssyncset.done $0x0  }
0x13: {  	[sflag:s12] =	ssyncadd.s32 $0xFFFFF620  }
0x14: {  	[tilespmem:s3], [sflag:$0x3] =	stream.linear.gather [hbm4b:s7+s3], $0x2800, $0x38;
	[tilespmem:$0xBF00] =	vst v63  }
0x15: {  	_ =	swait.ge [sflag:s12], $0x2800  }
0x16: {  	[sflag:s12] =	ssyncset.done $0x0  }
0x17: {  	[sflag:s12] =	ssyncadd.s32 $0xFFFFD800  }
0x18: {  	[tilespmem:s13], [sflag:$0x3] =	stream.linear.gather [hbm4b:s8+s3], $0x2800, $0x38;
	[tilespmem:$0xBF00] =	vst v63  }
0x19: {  	_ =	swait.ge [sflag:s12], $0x2800  }
0x1a: {  	[sflag:s12] =	ssyncset.done $0x0  }
0x1b: {  	[sflag:s12] =	ssyncadd.s32 $0xFFFFD800  }
0x1c: {  	[bflag:$0x0] =	sbarrier.arrive $0xFFFF  }
0x1d: {  	[tilespmem:s15], [sflag:$0x1] =	stream.indirect.gather [hbm4b:s4+s14], $0x20, s3, s14, $0xb8;
	[tilespmem:$0xBF00] =	vst v63  }
0x1e: {  	_ = 	snop  }
0x1f: {  	[tilespmem:s16], [sflag:$0x2] =	stream.indirect.gather [hbm4b:s4+s14], $0x20, s14, s14, $0xb8;
	[tilespmem:$0xBF00] =	vst v63  }
0x20: {  	_ =	swait.ge [sflag:s17], $0x1000  }
0x21: {  	[sflag:s17] =	ssyncset.done $0x0  }
0x22: {  	s22 =	simm.s32 $0x2800;
	[sflag:s17] =	ssyncadd.s32 $0xFFFFF000  }
0x23: {  	[spmem:s2] =	stream.indirect.scatter.add.f32 [tilespmem:s15], [sflag:$0x3], $0x20, s22, s14, $0xb8;
	[tilespmem:$0xBF00] =	vst v63  }
0x24: {  	_ =	swait.ge [sflag:s12], $0x1000  }
0x25: {  	[sflag:s12] =	ssyncset.done $0x0  }
0x26: {  	s30 =	simm.s32 $0x100;
	[sflag:s12] =	ssyncadd.s32 $0xFFFFF000  }
0x27: {  	[tilespmem:s15], [sflag:$0x1] =	stream.indirect.gather [hbm4b:s4+s14], $0x20, s30, s14, $0xb8;
	[tilespmem:$0xBF00] =	vst v63  }
0x28: {  	_ =	swait.ge [sflag:s18], $0x1000  }
0x29: {  	[sflag:s18] =	ssyncset.done $0x0  }
0x2a: {  	s31 =	simm.s32 $0x2880;
	[sflag:s18] =	ssyncadd.s32 $0xFFFFF000  }
0x2b: {  	[spmem:s2] =	stream.indirect.scatter.add.f32 [tilespmem:s16], [sflag:$0x3], $0x20, s31, s14, $0xb8;
	[tilespmem:$0xBF00] =	vst v63  }
0x2c: {  	_ =	swait.ge [sflag:s12], $0x1000  }
0x2d: {  	[sflag:s12] =	ssyncset.done $0x0  }
0x2e: {  	s23 =	simm.s32 $0x180;
	s22 =	simm.s32 $0x400;
	[sflag:s12] =	ssyncadd.s32 $0xFFFFF000  }
.LBB2_2:
0x2f: {  	[tilespmem:s16], [sflag:$0x2] =	stream.indirect.gather [hbm4b:s4+s14], $0x20, s23, s14, $0xb8;
	[tilespmem:$0xBF00] =	vst v63  }
0x30: {  	s23 =	smov.u32 s22  }
0x31: {  	p0 =	sne.s32 s22, $0x9800;
	s22 =	sadd.s32 $0x400, s22;
	_ =	swait.ge [sflag:s17], $0x1000  }
0x32: {  	s23 =	sshra.s32 s23, $0x2;
	[sflag:s17] =	ssyncset.done $0x0  }
0x33: {  	s24 =	sadd.s32 $0x2800, s23;
	[sflag:s17] =	ssyncadd.s32 $0xFFFFF000  }
0x34: {  	[spmem:s2] =	stream.indirect.scatter.add.f32 [tilespmem:s15], [sflag:$0x3], $0x20, s24, s14, $0xb8;
	[tilespmem:$0xBF00] =	vst v63  }
0x35: {  	_ =	swait.ge [sflag:s12], $0x1000  }
0x36: {  	[sflag:s12] =	ssyncset.done $0x0  }
0x37: {  	s24 =	sadd.s32 $0x100, s23;
	[sflag:s12] =	ssyncadd.s32 $0xFFFFF000  }
0x38: {  	[tilespmem:s15], [sflag:$0x1] =	stream.indirect.gather [hbm4b:s4+s14], $0x20, s24, s14, $0xb8;
	[tilespmem:$0xBF00] =	vst v63  }
0x39: {  	_ =	swait.ge [sflag:s18], $0x1000  }
0x3a: {  	[sflag:s18] =	ssyncset.done $0x0  }
.Ltmp0:
0x3b: {  	s24 =	sadd.s32 $0x2880, s23;
	[sflag:s18] =	ssyncadd.s32 $0xFFFFF000;
	(pc) =	sbr.rel @p0 .LBB2_2-.Ltmp0, $4  }
0x3c: {  	[spmem:s2] =	stream.indirect.scatter.add.f32 [tilespmem:s16], [sflag:$0x3], $0x20, s24, s14, $0xb8;
	[tilespmem:$0xBF00] =	vst v63  }
0x3d: {  	_ =	swait.ge [sflag:s12], $0x1000  }
0x3e: {  	[sflag:s12] =	ssyncset.done $0x0  }
0x3f: {  	s23 =	sadd.s32 $0x180, s23;
	[sflag:s12] =	ssyncadd.s32 $0xFFFFF000  }
0x40: {  	[tilespmem:s16], [sflag:$0x2] =	stream.indirect.gather [hbm4b:s4+s14], $0x20, s23, s14, $0xb8;
	[tilespmem:$0xBF00] =	vst v63  }
0x41: {  	_ =	swait.ge [sflag:s17], $0x1000  }
0x42: {  	[sflag:s17] =	ssyncset.done $0x0  }
0x43: {  	[sflag:s17] =	ssyncadd.s32 $0xFFFFF000  }
0x44: {  	[spmem:s2] =	stream.indirect.scatter.add.f32 [tilespmem:s15], [sflag:$0x3], $0x20, s19, s14, $0xb8;
	[tilespmem:$0xBF00] =	vst v63  }
0x45: {  	_ =	swait.ge [sflag:s12], $0x1000  }
0x46: {  	[sflag:s12] =	ssyncset.done $0x0  }
0x47: {  	[sflag:s12] =	ssyncadd.s32 $0xFFFFF000  }
0x48: {  	_ =	swait.ge [sflag:s18], $0x1000  }
0x49: {  	[sflag:s18] =	ssyncset.done $0x0  }
0x4a: {  	[sflag:s18] =	ssyncadd.s32 $0xFFFFF000  }
0x4b: {  	[spmem:s2] =	stream.indirect.scatter.add.f32 [tilespmem:s16], [sflag:$0x3], $0x20, s20, s14, $0xb8;
	[tilespmem:$0xBF00] =	vst v63  }
0x4c: {  	_ =	swait.ge [sflag:s12], $0x1000  }
0x4d: {  	s21 =	sadd.s32 $0x1, s21;
	[sflag:s12] =	ssyncset.done $0x0  }
0x4e: {  	p0 =	sne.s32 s21, s10;
	[sflag:s12] =	ssyncadd.s32 $0xFFFFF000  }
.Ltmp1:
0x4f: {  	[bflag:$0x0] =	sbarrier.arrive $0xFFFF;
	(pc) =	sbr.rel @p0 .LBB2_1-.Ltmp1, $4  }
0x50: {  	[hbm:s9], [sflag:s6] =	dma.local [spmem:s11], $0x9E0  }
0x51: {  	_ =	swait.ge [sflag:s12], $0x9E0  }
0x52: {  	[sflag:s12] =	ssyncset.done $0x0  }
0x53: {  	[sflag:s12] =	ssyncadd.s32 $0xFFFFF620  }
0x54: {  	_ =	sfence.sel $0x180000  }
0x55: {  	[bflag:$0x0] =	sbarrier.arrive $0xFFFF  }
0x56: {  	p0 =	sne.s32 s0, $0x0;
	_ =	strace $0x9000004A  }
0x57: {  	s0 =	sadd.s32 @!p0 $0x100000, s1;
	[bflag:$0x2] =	sbarrier.arrive $0xFFFF  }
0x58: {  	[sflag:s0] =	ssyncadd.tile.s32 @!p0 $0x1;
	_ =	shalt  }
.Lfunc_end2:
_tile_overlayer_lowered:
.L_overlay_start_2:
0x59: {  	(tag) =	ssettag $0x2  }
0x5a: {  	s0 =	rddreg [dreg:$0x0];
	s2 =	stileid.u32  }
0x5b: {  	s1 =	rddreg [dreg:$0x1];
	p0 =	sne.s32 s2, $0x0  }
0x5c: {  	s3 =	rddreg [dreg:$0x2];
	[bflag:$0x3] =	sbarrier.arrive $0xFFFF;
	s2 =	simm.s32 @!p0 $0x1C03  }
0x5d: {  	[timem:s3], [sflag:s2] =	dma.local @!p0 [hbm:s0], s1  }
0x5e: {  	s0 =	simm.s32 @!p0 $0x3  }
0x5f: {  	_ =	swait.ge @!p0 [sflag:s0], s1  }
0x60: {  	s1 =	ssub.s32 @!p0 $0x0, s1;
	[sflag:s0] =	ssyncset.done @!p0 $0x0  }
0x61: {  	[sflag:s0] =	ssyncadd.s32 @!p0 s1  }
0x62: {  	[bflag:$0x3] =	sbarrier.arrive $0xFFFF  }
0x63: {  	_ =	shalt  }

// kernel: kernel.15.cloned.1.call-start
scs
__scs_entry_jumppad:
0x0: {  	(pc) =	sbr.rel $0x88, $3  }
0x1: {  	(tag) =	ssettag $0x0;
	lr =	simm.s32 $0x1  }
0x2: {  	[smem:$0x3F91] =	sst lr;
	_ =	strace $0xD0000000  }
0x3: {  	_ = 	snop  }
0x4: {  	_ = 	snop  }
0x5: {  	_ = 	snop  }
0x6: {  	_ = 	snop  }
0x7: {  	_ = 	snop  }
__scs_overlays_trampoline_lowered:
0x8: {  	[smem:$0x3FA0] =	sst s0  }
0x9: {  	[smem:$0x3FA1] =	sst s1  }
0xa: {  	[smem:$0x3FA2] =	sst s2  }
0xb: {  	[smem:$0x3FA3] =	sst s3  }
0xc: {  	[smem:$0x3FA4] =	sst s4  }
0xd: {  	[smem:$0x3FA5] =	sst s5  }
0xe: {  	[smem:$0x3FA6] =	sst s6  }
0xf: {  	[smem:$0x3FA7] =	sst s7  }
0x10: {  	[smem:$0x3FA8] =	sst s8  }
0x11: {  	[smem:$0x3FA9] =	sst s9;
	s0 =	simm.s32 @!p0 $0x0  }
0x12: {  	s1 =	sld [smem:$0x3F8F];
	s0 =	simm.s32 @p0 $0x1  }
0x13: {  	[smem:$0x3FAA] =	sst s0;
	s0 =	simm.s32 @!p1 $0x0  }
0x14: {  	s2 =	sld [smem:$0x3F8E];
	s0 =	simm.s32 @p1 $0x1  }
0x15: {  	[smem:$0x3FAB] =	sst s0;
	s0 =	simm.s32 @!p2 $0x0  }
0x16: {  	s3 =	sld [smem:$0x3FDB];
	s0 =	simm.s32 @p2 $0x1  }
0x17: {  	s4 =	simm.s32 $0x1BF5;
	[smem:$0x3FAD] =	sst s0  }
0x18: {  	s0 =	sld [smem:$0x3F90];
	_ =	swait.ge [sflag:s4], $0x0  }
0x19: {  	s7 =	sld [smem:$0x3F91]  }
0x1a: {  	s8 =	sadd.s32 $0xFFFFE003, lr  }
0x1b: {  	s9 =	sadd.s32 $0xFFFFFEF7, lr;
	s5 =	simm.s32 $0xFFFFFFFF;
	p2 =	slt.u32 s8, $0xFFFFF086  }
0x1c: {  	p1 =	slt.u32 s9, $0xF7A;
	s5 =	simm.s32 @!p2 $0x0  }
0x1d: {  	s5 =	simm.s32 @p1 $0x1;
	p0 =	seq.s32 s7, s2  }
0x1e: {  	s7 =	smul.u32 @!p0 $0xF7A, s2;
	p2 =	seq.s32 @!p0 s5, $0x0  }
0x1f: {  	s9 =	smul.u32 $0xF7A, s1;
	s8 =	simm.s32 @!p0 $0x1BF5;
	p2 =	por !p2, p0  }
0x20: {  	[sflag:s8] =	ssyncset.s32 @!p0 $0xFFFFF086;
	s6 =	sadd.s32 @!p0 s3, s7;
	s7 =	simm.s32 @!p0 $0x108  }
0x21: {  	s3 =	sadd.s32 s3, s9;
	s6 =	sadd.s32 @!p0 $0x88, s6;
	s7 =	simm.s32 @p2 $0x1082  }
0x22: {  	[simem:s7], [sflag:s8] =	dma.local @!p0 [hbm:s6], $0xF7A  }
0x23: {  	s9 =	sor.u32 $0xD0000000, s2;
	s6 =	simm.s32 $0x108;
	_ =	swait.ge @!p0 [sflag:s8], $0x0  }
0x24: {  	s3 =	sadd.s32 $0x88, s3;
	s6 =	simm.s32 @!p1 $0x1082;
	[sflag:s4] =	ssyncset.s32 $0xFFFFF086  }
0x25: {  	[simem:s6], [sflag:s4] =	dma.local [hbm:s3], $0xF7A  }
0x26: {  	[smem:$0x3F91] =	sst s1;
	(tag) =	ssettag s2;
	_ =	strace s9  }
0x27: {  	s1 =	sld [smem:$0x3FA1]  }
0x28: {  	s2 =	sld [smem:$0x3FA2]  }
0x29: {  	s4 =	sld [smem:$0x3FA4]  }
0x2a: {  	p0 =	seq.s32 s5, $0x0;
	s5 =	sld [smem:$0x3FA5]  }
0x2b: {  	s6 =	sld [smem:$0x3FA6]  }
0x2c: {  	s7 =	sld [smem:$0x3FA7]  }
0x2d: {  	s3 =	simm.s32 $0x108;
	s8 =	sld [smem:$0x3FA8]  }
0x2e: {  	s3 =	simm.s32 @!p0 $0x1082;
	s9 =	sld [smem:$0x3FA9]  }
0x2f: {  	lr =	sadd.s32 s0, s3;
	s0 =	sld [smem:$0x3FA0]  }
0x30: {  	s3 =	sld [smem:$0x3FA3]  }
0x31: {  	[smem:$0x3FAC] =	sst s10  }
0x32: {  	s10 =	sld [smem:$0x3FAA];
	_ =	sdelay $0x3  }
0x33: {  	p0 =	seq.s32 s10, $0x1;
	s10 =	sld [smem:$0x3FAC];
	_ =	sdelay $0x3  }
0x34: {  	[smem:$0x3FAC] =	sst s10  }
0x35: {  	s10 =	sld [smem:$0x3FAB];
	_ =	sdelay $0x3  }
0x36: {  	p1 =	seq.s32 s10, $0x1;
	s10 =	sld [smem:$0x3FAC];
	_ =	sdelay $0x3  }
0x37: {  	[smem:$0x3FAC] =	sst s10  }
0x38: {  	s10 =	sld [smem:$0x3FAD]  }
0x39: {  	_ = 	snop;
	(pc) =	sbr.ind lr, $3  }
0x3a: {  	_ = 	snop  }
0x3b: {  	_ = 	snop  }
0x3c: {  	p2 =	seq.s32 s10, $0x1;
	s10 =	sld [smem:$0x3FAC]  }
0x3d: {  	_ =	shalt  }
0x3e: {  	_ =	shalt  }
0x3f: {  	_ =	shalt  }
0x40: {  	_ =	shalt  }
0x41: {  	_ =	shalt  }
0x42: {  	_ =	shalt  }
0x43: {  	_ =	shalt  }
0x44: {  	_ =	shalt  }
0x45: {  	_ =	shalt  }
0x46: {  	_ =	shalt  }
0x47: {  	_ =	shalt  }
0x48: {  	_ =	shalt  }
0x49: {  	_ =	shalt  }
0x4a: {  	_ =	shalt  }
0x4b: {  	_ =	shalt  }
0x4c: {  	_ =	shalt  }
0x4d: {  	_ =	shalt  }
0x4e: {  	_ =	shalt  }
0x4f: {  	_ =	shalt  }
0x50: {  	_ =	shalt  }
0x51: {  	_ =	shalt  }
0x52: {  	_ =	shalt  }
0x53: {  	_ =	shalt  }
0x54: {  	_ =	shalt  }
0x55: {  	_ =	shalt  }
0x56: {  	_ =	shalt  }
0x57: {  	_ =	shalt  }
0x58: {  	_ =	shalt  }
0x59: {  	_ =	shalt  }
0x5a: {  	_ =	shalt  }
0x5b: {  	_ =	shalt  }
0x5c: {  	_ =	shalt  }
0x5d: {  	_ =	shalt  }
0x5e: {  	_ =	shalt  }
0x5f: {  	_ =	shalt  }
0x60: {  	_ =	shalt  }
0x61: {  	_ =	shalt  }
0x62: {  	_ =	shalt  }
0x63: {  	_ =	shalt  }
0x64: {  	_ =	shalt  }
0x65: {  	_ =	shalt  }
0x66: {  	_ =	shalt  }
0x67: {  	_ =	shalt  }
0x68: {  	_ =	shalt  }
0x69: {  	_ =	shalt  }
0x6a: {  	_ =	shalt  }
0x6b: {  	_ =	shalt  }
0x6c: {  	_ =	shalt  }
0x6d: {  	_ =	shalt  }
0x6e: {  	_ =	shalt  }
0x6f: {  	_ =	shalt  }
0x70: {  	_ =	shalt  }
0x71: {  	_ =	shalt  }
0x72: {  	_ =	shalt  }
0x73: {  	_ =	shalt  }
0x74: {  	_ =	shalt  }
0x75: {  	_ =	shalt  }
0x76: {  	_ =	shalt  }
0x77: {  	_ =	shalt  }
0x78: {  	_ =	shalt  }
0x79: {  	_ =	shalt  }
0x7a: {  	_ =	shalt  }
0x7b: {  	_ =	shalt  }
0x7c: {  	_ =	shalt  }
0x7d: {  	_ =	shalt  }
0x7e: {  	_ =	shalt  }
0x7f: {  	_ =	shalt  }
0x80: {  	_ =	shalt  }
0x81: {  	_ =	shalt  }
0x82: {  	_ =	shalt  }
0x83: {  	_ =	shalt  }
0x84: {  	_ =	shalt  }
0x85: {  	_ =	shalt  }
0x86: {  	_ =	shalt  }
0x87: {  	_ =	shalt  }
.Lfunc_end0:
.L_simem_size_0:
called_computation.2_lowered:
.L_overlay_start_0:
0x88: {  	s2 =	sld [smem:$0x3FD9]  }
0x89: {  	s3 =	sld [smem:$0x3FFE];
	_ =	sdelay $0x1  }
0x8a: {  	s1 =	srdreg.scid  }
0x8b: {  	s0 =	sand.u32 $0x1, s1  }
0x8c: {  	s16 =	sshll.u32 s0, $0xA;
	s2 =	sadd.s32 s3, s2  }
0x8d: {  	s2 =	sadd.s32 s2, s16  }
0x8e: {  	[smem:$0x3FB8] =	sst s2  }
0x8f: {  	_ = 	snop  }
0x90: {  	(tm) =	ssettm $0x1  }
0x91: {  	s17 =	sld [smem:$0x3FFB];
	_ =	sdelay $0x3  }
0x92: {  	_ =	strace s17  }
0x93: {  	s2 =	sld [smem:$0x3FFC];
	_ =	sdelay $0x3  }
0x94: {  	_ =	strace s2  }
0x95: {  	s2 =	sld [smem:$0x3FFD];
	_ =	sdelay $0x3  }
0x96: {  	_ =	strace s2  }
0x97: {  	_ =	strace $0x8FFFFFFF  }
0x98: {  	s18 =	sld [smem:$0x3FDB];
	_ =	sdelay $0x1  }
0x99: {  	s19 =	simm.s32 $_scs_section_size  }
0x9a: {  	s4 =	simm.s32 $_size__tile_overlayer_lowered;
	s5 =	simm.s32 $_tile_overlayer_lowered  }
0x9b: {  	s22 =	simm.s32 $0x1BFF;
	s21 =	sshll.u32 s5, $0x1;
	s2 =	sadd.s32 s19, s18  }
0x9c: {  	s6 =	simm.s32 $0x0;
	s20 =	sshll.u32 s4, $0x1;
	s4 =	sadd.s32 s21, s2  }
0x9d: {  	[timem:s6], [sflag:s22] =	dma.local [hbm:s4], s20  }
0x9e: {  	_ =	swait.ge [sflag:s22], s20  }
0x9f: {  	s3 =	ssub.s32 $0x0, s20;
	[sflag:s22] =	ssyncset.done $0x0  }
0xa0: {  	[sflag:s22] =	ssyncadd.s32 s3;
	_ =	sdelay $0x1  }
0xa1: {  	s23 =	simm.s32 $0x1B8B  }
0xa2: {  	_ =	swait.ge [sflag:s23], $0x1  }
0xa3: {  	[sflag:s23] =	ssyncset.done $0x0  }
0xa4: {  	s25 =	simm.s32 $0x1B8E;
	s24 =	sld [smem:$0x3FFE];
	[sflag:s23] =	ssyncadd.s32 $0xFFFFFFFF  }
0xa5: {  	s26 =	simm.s32 $execute0_lowered;
	[smem:$0x3FD2] =	sst s25  }
0xa6: {  	s4 =	sshll.u32 s26, $0x1;
	_ =	strace $0x8000004C;
	[dreg:$0x1] =	wrdreg $0xFFFFFFFF  }
0xa7: {  	s28 =	simm.s32 $_size_execute0_lowered;
	s2 =	sadd.s32 s2, s4;
	[dreg:$0x0] =	wrdreg $0x0  }
0xa8: {  	s4 =	sshll.u32 s28, $0x1;
	[dreg:$0x2] =	wrdreg s2  }
0xa9: {  	[dreg:$0x3] =	wrdreg s4  }
0xaa: {  	[dreg:$0x4] =	wrdreg $0xC0  }
0xab: {  	_ =	task [dreg:s6], $0x5FFFF  }
0xac: {  	[dreg:$0x1] =	wrdreg $0xFFFFFFFF  }
0xad: {  	[dreg:$0x0] =	wrdreg $0x60  }
0xae: {  	[dreg:$0x2] =	wrdreg s24  }
0xaf: {  	[dreg:$0x3] =	wrdreg $0x9  }
0xb0: {  	_ =	task.clear_ibuf [dreg:s6], $0x4FFFF;
	_ =	strace $0x9000004C  }
0xb1: {  	s29 =	simm.s32 $0x9;
	_ =	strace $0x8000004E  }
0xb2: {  	_ =	swait.ge [sflag:s29], $0x1  }
0xb3: {  	[sflag:s29] =	ssyncadd.s32 $0xFFFFFFFF  }
0xb4: {  	_ =	strace $0x9000004E  }
0xb5: {  	_ =	sfence  }
0xb6: {  	s30 =	sld [smem:$0x0];
	_ =	sdelay $0x2  }
0xb7: {  	s31 =	sshll.u32 s1, $0xD;
	s1 =	sshrl.u32 s1, $0x2  }
0xb8: {  	s3 =	sand.u32 $0x4000, s31;
	s1 =	sadd.s32 s1, s30  }
0xb9: {  	s0 =	sor.u32 s3, s0;
	s1 =	sshll.u32 s1, $0x11  }
0xba: {  	s0 =	sor.u32 s1, s0  }
0xbb: {  	s0 =	sadd.s32 $0x8F2B, s0  }
0xbc: {  	[sflag:s0] =	ssyncadd.remote.s32 $0x1  }
0xbd: {  	_ =	sfence.sel $0xFFFF  }
0xbe: {  	[dreg:$0x0] =	wrdreg $0xFFFFFFFF;
	(pc) =	sbr.abs _section_cstart, $3  }
0xbf: {  	[dreg:$0x1] =	wrdreg $0xFFFFFFFF  }
0xc0: {  	_ =	task.clear_ibuf [dreg:s6], $0x2FFFF;
	_ =	strace $0x9FFFFFFF  }
0xc1: {  	(tm) =	ssettm $0x7FFFFFFF  }
tec
execute0_lowered:
.L_overlay_start_1:
0x0: {  	(tag) =	ssettag $0x1  }
0x1: {  	s0 =	srdreg.scid;
	s26 =	stileid.u32  }
0x2: {  	s4 =	rddreg [dreg:$0x0];
	s16 =	simm.s32 $0xD00;
	s17 =	simm.s32 $0x80  }
0x3: {  	s18 =	simm.s32 $0x1A00;
	s19 =	simm.s32 $0x2A00;
	s20 =	simm.s32 $0x2200  }
0x4: {  	s21 =	simm.s32 $0xD80;
	s22 =	simm.s32 $0x3200;
	s23 =	simm.s32 $0x1  }
0x5: {  	s24 =	simm.s32 $0x3;
	s25 =	simm.s32 $0x2;
	s11 =	smul.u32 $0x1A000, s26  }
0x6: {  	s28 =	simm.s32 $0x0;
	s1 =	sand.u32 $0x1, s0;
	s12 =	smul.u32 $0xD00, s26  }
0x7: {  	s13 =	sadd.s32 $0x7000, s4;
	s2 =	sshll.u32 s1, $0x4;
	s10 =	smul.u32 $0x1A0000, s1  }
0x8: {  	s8 =	ssub.s32 $0x2, s1;
	s1 =	smul.u32 $0xD000, s1;
	s5 =	sor.u32 s26, s2  }
0x9: {  	s14 =	sadd.s32 $0x44000, s4;
	s2 =	simm.s32 $0x0;
	s3 =	smul.u32 $0xD00, s5  }
0xa: {  	s29 =	sshrl.u32 s8, $0x1;
	s26 =	simm.s32 $0x4;
	s7 =	smul.u32 $0x1A000, s5  }
0xb: {  	[smem:$0x7FF] =	sst s2;
	s9 =	smul.u32 $0x1A00, s5;
	s8 =	ssub.s32 s8, s29  }
0xc: {  	s11 =	sadd.s32 s11, s10;
	s1 =	sadd.s32 s12, s1;
	_ =	strace $0x8000004D  }
0xd: {  	s31 =	sshrl.u32 s11, $0x4;
	s1 =	sshll.u32 s1, $0x1;
	s6 =	sshrl.u32 s3, $0x3  }
0xe: {  	s3 =	sadd.s32 $0x2000, s4;
	s7 =	sshrl.u32 s7, $0x4;
	s15 =	sadd.s32 $0x1900, s9  }
0xf: {  	s11 =	sadd.s32 s31, s14;
	s12 =	sadd.s32 s31, s13;
	s1 =	sor.u32 $0x100, s1  }
0x10: {  	s6 =	sadd.s32 s6, s4;
	s30 =	sadd.s32 $0x1800, s7;
	s9 =	sadd.s32 s13, s15  }
0x11: {  	s10 =	sadd.s32 s14, s15;
	s15 =	simm.s32 $0x5;
	s4 =	sadd.s32 $0x40C00, s6  }
0x12: {  	s5 =	sadd.s32 $0x3D800, s6;
	s6 =	smax.u32 s8, $0x1;
	s7 =	sadd.s32 s13, s30  }
0x13: {  	s8 =	sadd.s32 s14, s30;
	s13 =	sadd.s32 s1, s13;
	s14 =	sadd.s32 s1, s14  }
.LBB2_1:
0x14: {  	[tilespmem:s2], [sflag:$0x5] =	stream.linear.gather [hbm4b:s4+s2], $0xD00, $0x38;
	[tilespmem:$0x3A00] =	vst v63  }
0x15: {  	_ =	swait.ge [sflag:s15], $0xD00  }
0x16: {  	[sflag:s15] =	ssyncset.done $0x0  }
0x17: {  	[sflag:s15] =	ssyncadd.s32 $0xFFFFF300  }
0x18: {  	[tilespmem:s16], [sflag:$0x5] =	stream.linear.gather [hbm4b:s5+s2], $0xD00, $0x38;
	[tilespmem:$0x3A00] =	vst v63  }
0x19: {  	_ =	swait.ge [sflag:s15], $0xD00  }
0x1a: {  	[sflag:s15] =	ssyncset.done $0x0  }
0x1b: {  	[sflag:s15] =	ssyncadd.s32 $0xFFFFF300  }
0x1c: {  	[tilespmem:s18], [sflag:$0x1] =	stream.indirect.gather [hbm4b:s3+s17], $0x10, s2, s17, $0xb8;
	[tilespmem:$0x3A00] =	vst v63  }
0x1d: {  	_ = 	snop  }
0x1e: {  	[tilespmem:s19], [sflag:$0x3] =	stream.indirect.gather [hbm4b:s3+s17], $0x10, s16, s17, $0xb8;
	[tilespmem:$0x3A00] =	vst v63  }
0x1f: {  	_ = 	snop  }
0x20: {  	[tilespmem:s20], [sflag:$0x2] =	stream.indirect.gather [hbm4b:s3+s17], $0x10, s17, s17, $0xb8;
	[tilespmem:$0x3A00] =	vst v63  }
0x21: {  	_ = 	snop  }
0x22: {  	[tilespmem:s22], [sflag:$0x4] =	stream.indirect.gather [hbm4b:s3+s17], $0x10, s21, s17, $0xb8;
	[tilespmem:$0x3A00] =	vst v63  }
0x23: {  	_ =	swait.ge [sflag:s23], $0x800  }
0x24: {  	[sflag:s23] =	ssyncset.done $0x0  }
0x25: {  	s1 =	sadd.s32 $0x0, s12;
	[sflag:s23] =	ssyncadd.s32 $0xFFFFF800  }
0x26: {  	[hbm4b:s1+s2] =	stream.linear.scatter [tilespmem:s18], [sflag:$0x5], $0x800, $0x38;
	[tilespmem:$0x3A00] =	vst v63  }
0x27: {  	_ =	swait.ge [sflag:s15], $0x800  }
0x28: {  	[sflag:s15] =	ssyncset.done $0x0  }
0x29: {  	[sflag:s15] =	ssyncadd.s32 $0xFFFFF800  }
0x2a: {  	_ =	swait.ge [sflag:s24], $0x800  }
0x2b: {  	[sflag:s24] =	ssyncset.done $0x0  }
0x2c: {  	s0 =	sadd.s32 $0x0, s11;
	[sflag:s24] =	ssyncadd.s32 $0xFFFFF800  }
0x2d: {  	[hbm4b:s0+s2] =	stream.linear.scatter [tilespmem:s19], [sflag:$0x5], $0x800, $0x38;
	[tilespmem:$0x3A00] =	vst v63  }
0x2e: {  	_ =	swait.ge [sflag:s15], $0x800  }
0x2f: {  	[sflag:s15] =	ssyncset.done $0x0  }
0x30: {  	s0 =	simm.s32 $0x100;
	[sflag:s15] =	ssyncadd.s32 $0xFFFFF800  }
0x31: {  	[tilespmem:s18], [sflag:$0x1] =	stream.indirect.gather [hbm4b:s3+s17], $0x10, s0, s17, $0xb8;
	[tilespmem:$0x3A00] =	vst v63  }
0x32: {  	s0 =	simm.s32 $0xE00  }
0x33: {  	[tilespmem:s19], [sflag:$0x3] =	stream.indirect.gather [hbm4b:s3+s17], $0x10, s0, s17, $0xb8;
	[tilespmem:$0x3A00] =	vst v63  }
0x34: {  	_ =	swait.ge [sflag:s25], $0x800  }
0x35: {  	[sflag:s25] =	ssyncset.done $0x0  }
0x36: {  	s0 =	sadd.s32 $0x0, s13;
	[sflag:s25] =	ssyncadd.s32 $0xFFFFF800  }
0x37: {  	[hbm4b:s0+s2] =	stream.linear.scatter [tilespmem:s20], [sflag:$0x5], $0x800, $0x38;
	[tilespmem:$0x3A00] =	vst v63  }
0x38: {  	_ =	swait.ge [sflag:s15], $0x800  }
0x39: {  	[sflag:s15] =	ssyncset.done $0x0  }
0x3a: {  	[sflag:s15] =	ssyncadd.s32 $0xFFFFF800  }
0x3b: {  	_ =	swait.ge [sflag:s26], $0x800  }
0x3c: {  	[sflag:s26] =	ssyncset.done $0x0  }
0x3d: {  	s0 =	sadd.s32 $0x0, s14;
	[sflag:s26] =	ssyncadd.s32 $0xFFFFF800  }
0x3e: {  	[hbm4b:s0+s2] =	stream.linear.scatter [tilespmem:s22], [sflag:$0x5], $0x800, $0x38;
	[tilespmem:$0x3A00] =	vst v63  }
0x3f: {  	s29 =	simm.s32 $0x200;
	_ =	swait.ge [sflag:s15], $0x800  }
0x40: {  	s30 =	simm.s32 $0xF00;
	s31 =	simm.s32 $0x200;
	[sflag:s15] =	ssyncset.done $0x0  }
0x41: {  	s1 =	simm.s32 $0xE80;
	s0 =	simm.s32 $0x180;
	[sflag:s15] =	ssyncadd.s32 $0xFFFFF800  }
0x42: {  	[tilespmem:s20], [sflag:$0x2] =	stream.indirect.gather [hbm4b:s3+s17], $0x10, s0, s17, $0xb8;
	[tilespmem:$0x3A00] =	vst v63  }
.LBB2_2:
0x43: {  	[tilespmem:s22], [sflag:$0x4] =	stream.indirect.gather [hbm4b:s3+s17], $0x10, s1, s17, $0xb8;
	[tilespmem:$0x3A00] =	vst v63  }
0x44: {  	s1 =	smov.u32 s29  }
0x45: {  	p0 =	sne.s32 s29, $0x1600;
	s29 =	sadd.s32 $0x200, s29;
	_ =	swait.ge [sflag:s23], $0x800  }
0x46: {  	[sflag:s23] =	ssyncset.done $0x0  }
0x47: {  	s0 =	sadd.s32 s1, s12;
	[sflag:s23] =	ssyncadd.s32 $0xFFFFF800  }
0x48: {  	[hbm4b:s0+s2] =	stream.linear.scatter [tilespmem:s18], [sflag:$0x5], $0x800, $0x38;
	[tilespmem:$0x3A00] =	vst v63  }
0x49: {  	_ =	swait.ge [sflag:s15], $0x800  }
0x4a: {  	[sflag:s15] =	ssyncset.done $0x0  }
0x4b: {  	[sflag:s15] =	ssyncadd.s32 $0xFFFFF800  }
0x4c: {  	_ =	swait.ge [sflag:s24], $0x800  }
0x4d: {  	[sflag:s24] =	ssyncset.done $0x0  }
0x4e: {  	s0 =	sadd.s32 s1, s11;
	[sflag:s24] =	ssyncadd.s32 $0xFFFFF800  }
0x4f: {  	[hbm4b:s0+s2] =	stream.linear.scatter [tilespmem:s19], [sflag:$0x5], $0x800, $0x38;
	[tilespmem:$0x3A00] =	vst v63  }
0x50: {  	_ =	swait.ge [sflag:s15], $0x800  }
0x51: {  	[sflag:s15] =	ssyncset.done $0x0  }
0x52: {  	[sflag:s15] =	ssyncadd.s32 $0xFFFFF800  }
0x53: {  	[tilespmem:s18], [sflag:$0x1] =	stream.indirect.gather [hbm4b:s3+s17], $0x10, s31, s17, $0xb8;
	[tilespmem:$0x3A00] =	vst v63  }
0x54: {  	_ = 	snop  }
0x55: {  	[tilespmem:s19], [sflag:$0x3] =	stream.indirect.gather [hbm4b:s3+s17], $0x10, s30, s17, $0xb8;
	[tilespmem:$0x3A00] =	vst v63  }
0x56: {  	_ =	swait.ge [sflag:s25], $0x800  }
0x57: {  	[sflag:s25] =	ssyncset.done $0x0  }
0x58: {  	s0 =	sadd.s32 s1, s13;
	[sflag:s25] =	ssyncadd.s32 $0xFFFFF800  }
0x59: {  	[hbm4b:s0+s2] =	stream.linear.scatter [tilespmem:s20], [sflag:$0x5], $0x800, $0x38;
	[tilespmem:$0x3A00] =	vst v63  }
0x5a: {  	_ =	swait.ge [sflag:s15], $0x800  }
0x5b: {  	[sflag:s15] =	ssyncset.done $0x0  }
0x5c: {  	[sflag:s15] =	ssyncadd.s32 $0xFFFFF800  }
0x5d: {  	_ =	swait.ge [sflag:s26], $0x800  }
0x5e: {  	[sflag:s26] =	ssyncset.done $0x0  }
0x5f: {  	s0 =	sadd.s32 s1, s14;
	[sflag:s26] =	ssyncadd.s32 $0xFFFFF800  }
0x60: {  	[hbm4b:s0+s2] =	stream.linear.scatter [tilespmem:s22], [sflag:$0x5], $0x800, $0x38;
	[tilespmem:$0x3A00] =	vst v63  }
.Ltmp0:
0x61: {  	_ =	swait.ge [sflag:s15], $0x800;
	(pc) =	sbr.rel @p0 .LBB2_2-.Ltmp0, $4  }
0x62: {  	[sflag:s15] =	ssyncset.done $0x0  }
0x63: {  	s0 =	sadd.s32 $0x80, s31;
	[sflag:s15] =	ssyncadd.s32 $0xFFFFF800  }
0x64: {  	[tilespmem:s20], [sflag:$0x2] =	stream.indirect.gather [hbm4b:s3+s17], $0x10, s0, s17, $0xb8;
	[tilespmem:$0x3A00] =	vst v63  }
0x65: {  	s1 =	sadd.s32 $0x80, s30;
	s30 =	sadd.s32 $0x100, s30;
	s31 =	sadd.s32 $0x100, s31  }
0x66: {  	[tilespmem:s22], [sflag:$0x4] =	stream.indirect.gather [hbm4b:s3+s17], $0x10, s1, s17, $0xb8;
	[tilespmem:$0x3A00] =	vst v63  }
0x67: {  	_ =	swait.ge [sflag:s23], $0x800  }
0x68: {  	[sflag:s23] =	ssyncset.done $0x0  }
0x69: {  	[sflag:s23] =	ssyncadd.s32 $0xFFFFF800  }
0x6a: {  	[hbm4b:s7+s2] =	stream.linear.scatter [tilespmem:s18], [sflag:$0x5], $0x800, $0x38;
	[tilespmem:$0x3A00] =	vst v63  }
0x6b: {  	_ =	swait.ge [sflag:s15], $0x800  }
0x6c: {  	[sflag:s15] =	ssyncset.done $0x0  }
0x6d: {  	[sflag:s15] =	ssyncadd.s32 $0xFFFFF800  }
0x6e: {  	_ =	swait.ge [sflag:s24], $0x800  }
0x6f: {  	[sflag:s24] =	ssyncset.done $0x0  }
0x70: {  	[sflag:s24] =	ssyncadd.s32 $0xFFFFF800  }
0x71: {  	[hbm4b:s8+s2] =	stream.linear.scatter [tilespmem:s19], [sflag:$0x5], $0x800, $0x38;
	[tilespmem:$0x3A00] =	vst v63  }
0x72: {  	_ =	swait.ge [sflag:s15], $0x800  }
0x73: {  	[sflag:s15] =	ssyncset.done $0x0  }
0x74: {  	[sflag:s15] =	ssyncadd.s32 $0xFFFFF800  }
0x75: {  	_ =	swait.ge [sflag:s25], $0x800  }
0x76: {  	[sflag:s25] =	ssyncset.done $0x0  }
0x77: {  	[sflag:s25] =	ssyncadd.s32 $0xFFFFF800  }
0x78: {  	[hbm4b:s9+s2] =	stream.linear.scatter [tilespmem:s20], [sflag:$0x5], $0x800, $0x38;
	[tilespmem:$0x3A00] =	vst v63  }
0x79: {  	_ =	swait.ge [sflag:s15], $0x800  }
0x7a: {  	[sflag:s15] =	ssyncset.done $0x0  }
0x7b: {  	[sflag:s15] =	ssyncadd.s32 $0xFFFFF800  }
0x7c: {  	s28 =	sadd.s32 $0x1, s28;
	_ =	swait.ge [sflag:s26], $0x800  }
0x7d: {  	p0 =	sne.s32 s28, s6;
	[sflag:s26] =	ssyncset.done $0x0  }
.Ltmp1:
0x7e: {  	[sflag:s26] =	ssyncadd.s32 $0xFFFFF800;
	(pc) =	sbr.rel @p0 .LBB2_1-.Ltmp1, $4  }
0x7f: {  	[hbm4b:s10+s2] =	stream.linear.scatter [tilespmem:s22], [sflag:$0x5], $0x800, $0x38;
	[tilespmem:$0x3A00] =	vst v63  }
0x80: {  	_ =	swait.ge [sflag:s15], $0x800  }
0x81: {  	[sflag:s15] =	ssyncset.done $0x0  }
0x82: {  	[sflag:s15] =	ssyncadd.s32 $0xFFFFF800  }
0x83: {  	_ =	sfence.sel $0x180000  }
0x84: {  	[bflag:$0x0] =	sbarrier.arrive $0xFFFF  }
0x85: {  	_ =	strace $0x9000004D  }
0x86: {  	s0 =	stileid.u32;
	[bflag:$0x2] =	sbarrier.arrive $0xFFFF  }
0x87: {  	p0 =	sne.s32 s0, $0x0;
	s0 =	rddreg [dreg:$0x1]  }
0x88: {  	s0 =	sadd.s32 @!p0 $0x100000, s0  }
0x89: {  	[sflag:s0] =	ssyncadd.tile.s32 @!p0 $0x1;
	_ =	shalt  }
.Lfunc_end2:
_tile_overlayer_lowered:
.L_overlay_start_2:
0x8a: {  	(tag) =	ssettag $0x2  }
0x8b: {  	s0 =	rddreg [dreg:$0x0];
	s2 =	stileid.u32  }
0x8c: {  	s1 =	rddreg [dreg:$0x1];
	p0 =	sne.s32 s2, $0x0  }
0x8d: {  	s3 =	rddreg [dreg:$0x2];
	[bflag:$0x3] =	sbarrier.arrive $0xFFFF;
	s2 =	simm.s32 @!p0 $0x1C05  }
0x8e: {  	[timem:s3], [sflag:s2] =	dma.local @!p0 [hbm:s0], s1  }
0x8f: {  	s0 =	simm.s32 @!p0 $0x5  }
0x90: {  	_ =	swait.ge @!p0 [sflag:s0], s1  }
0x91: {  	s1 =	ssub.s32 @!p0 $0x0, s1;
	[sflag:s0] =	ssyncset.done @!p0 $0x0  }
0x92: {  	[sflag:s0] =	ssyncadd.s32 @!p0 s1  }
0x93: {  	[bflag:$0x3] =	sbarrier.arrive $0xFFFF  }
0x94: {  	_ =	shalt  }

// kernel: kernel.9.cloned.1.call-start
scs
__scs_entry_jumppad:
0x0: {  	(pc) =	sbr.rel $0x88, $3  }
0x1: {  	(tag) =	ssettag $0x0;
	lr =	simm.s32 $0x1  }
0x2: {  	[smem:$0x3F91] =	sst lr;
	_ =	strace $0xD0000000  }
0x3: {  	_ = 	snop  }
0x4: {  	_ = 	snop  }
0x5: {  	_ = 	snop  }
0x6: {  	_ = 	snop  }
0x7: {  	_ = 	snop  }
__scs_overlays_trampoline_lowered:
0x8: {  	[smem:$0x3FA0] =	sst s0  }
0x9: {  	[smem:$0x3FA1] =	sst s1  }
0xa: {  	[smem:$0x3FA2] =	sst s2  }
0xb: {  	[smem:$0x3FA3] =	sst s3  }
0xc: {  	[smem:$0x3FA4] =	sst s4  }
0xd: {  	[smem:$0x3FA5] =	sst s5  }
0xe: {  	[smem:$0x3FA6] =	sst s6  }
0xf: {  	[smem:$0x3FA7] =	sst s7  }
0x10: {  	[smem:$0x3FA8] =	sst s8  }
0x11: {  	[smem:$0x3FA9] =	sst s9;
	s0 =	simm.s32 @!p0 $0x0  }
0x12: {  	s1 =	sld [smem:$0x3F8F];
	s0 =	simm.s32 @p0 $0x1  }
0x13: {  	[smem:$0x3FAA] =	sst s0;
	s0 =	simm.s32 @!p1 $0x0  }
0x14: {  	s2 =	sld [smem:$0x3F8E];
	s0 =	simm.s32 @p1 $0x1  }
0x15: {  	[smem:$0x3FAB] =	sst s0;
	s0 =	simm.s32 @!p2 $0x0  }
0x16: {  	s3 =	sld [smem:$0x3FDB];
	s0 =	simm.s32 @p2 $0x1  }
0x17: {  	s4 =	simm.s32 $0x1BF5;
	[smem:$0x3FAD] =	sst s0  }
0x18: {  	s0 =	sld [smem:$0x3F90];
	_ =	swait.ge [sflag:s4], $0x0  }
0x19: {  	s7 =	sld [smem:$0x3F91]  }
0x1a: {  	s8 =	sadd.s32 $0xFFFFE003, lr  }
0x1b: {  	s9 =	sadd.s32 $0xFFFFFEF7, lr;
	s5 =	simm.s32 $0xFFFFFFFF;
	p2 =	slt.u32 s8, $0xFFFFF086  }
0x1c: {  	p1 =	slt.u32 s9, $0xF7A;
	s5 =	simm.s32 @!p2 $0x0  }
0x1d: {  	s5 =	simm.s32 @p1 $0x1;
	p0 =	seq.s32 s7, s2  }
0x1e: {  	s7 =	smul.u32 @!p0 $0xF7A, s2;
	p2 =	seq.s32 @!p0 s5, $0x0  }
0x1f: {  	s9 =	smul.u32 $0xF7A, s1;
	s8 =	simm.s32 @!p0 $0x1BF5;
	p2 =	por !p2, p0  }
0x20: {  	[sflag:s8] =	ssyncset.s32 @!p0 $0xFFFFF086;
	s6 =	sadd.s32 @!p0 s3, s7;
	s7 =	simm.s32 @!p0 $0x108  }
0x21: {  	s3 =	sadd.s32 s3, s9;
	s6 =	sadd.s32 @!p0 $0x88, s6;
	s7 =	simm.s32 @p2 $0x1082  }
0x22: {  	[simem:s7], [sflag:s8] =	dma.local @!p0 [hbm:s6], $0xF7A  }
0x23: {  	s9 =	sor.u32 $0xD0000000, s2;
	s6 =	simm.s32 $0x108;
	_ =	swait.ge @!p0 [sflag:s8], $0x0  }
0x24: {  	s3 =	sadd.s32 $0x88, s3;
	s6 =	simm.s32 @!p1 $0x1082;
	[sflag:s4] =	ssyncset.s32 $0xFFFFF086  }
0x25: {  	[simem:s6], [sflag:s4] =	dma.local [hbm:s3], $0xF7A  }
0x26: {  	[smem:$0x3F91] =	sst s1;
	(tag) =	ssettag s2;
	_ =	strace s9  }
0x27: {  	s1 =	sld [smem:$0x3FA1]  }
0x28: {  	s2 =	sld [smem:$0x3FA2]  }
0x29: {  	s4 =	sld [smem:$0x3FA4]  }
0x2a: {  	p0 =	seq.s32 s5, $0x0;
	s5 =	sld [smem:$0x3FA5]  }
0x2b: {  	s6 =	sld [smem:$0x3FA6]  }
0x2c: {  	s7 =	sld [smem:$0x3FA7]  }
0x2d: {  	s3 =	simm.s32 $0x108;
	s8 =	sld [smem:$0x3FA8]  }
0x2e: {  	s3 =	simm.s32 @!p0 $0x1082;
	s9 =	sld [smem:$0x3FA9]  }
0x2f: {  	lr =	sadd.s32 s0, s3;
	s0 =	sld [smem:$0x3FA0]  }
0x30: {  	s3 =	sld [smem:$0x3FA3]  }
0x31: {  	[smem:$0x3FAC] =	sst s10  }
0x32: {  	s10 =	sld [smem:$0x3FAA];
	_ =	sdelay $0x3  }
0x33: {  	p0 =	seq.s32 s10, $0x1;
	s10 =	sld [smem:$0x3FAC];
	_ =	sdelay $0x3  }
0x34: {  	[smem:$0x3FAC] =	sst s10  }
0x35: {  	s10 =	sld [smem:$0x3FAB];
	_ =	sdelay $0x3  }
0x36: {  	p1 =	seq.s32 s10, $0x1;
	s10 =	sld [smem:$0x3FAC];
	_ =	sdelay $0x3  }
0x37: {  	[smem:$0x3FAC] =	sst s10  }
0x38: {  	s10 =	sld [smem:$0x3FAD]  }
0x39: {  	_ = 	snop;
	(pc) =	sbr.ind lr, $3  }
0x3a: {  	_ = 	snop  }
0x3b: {  	_ = 	snop  }
0x3c: {  	p2 =	seq.s32 s10, $0x1;
	s10 =	sld [smem:$0x3FAC]  }
0x3d: {  	_ =	shalt  }
0x3e: {  	_ =	shalt  }
0x3f: {  	_ =	shalt  }
0x40: {  	_ =	shalt  }
0x41: {  	_ =	shalt  }
0x42: {  	_ =	shalt  }
0x43: {  	_ =	shalt  }
0x44: {  	_ =	shalt  }
0x45: {  	_ =	shalt  }
0x46: {  	_ =	shalt  }
0x47: {  	_ =	shalt  }
0x48: {  	_ =	shalt  }
0x49: {  	_ =	shalt  }
0x4a: {  	_ =	shalt  }
0x4b: {  	_ =	shalt  }
0x4c: {  	_ =	shalt  }
0x4d: {  	_ =	shalt  }
0x4e: {  	_ =	shalt  }
0x4f: {  	_ =	shalt  }
0x50: {  	_ =	shalt  }
0x51: {  	_ =	shalt  }
0x52: {  	_ =	shalt  }
0x53: {  	_ =	shalt  }
0x54: {  	_ =	shalt  }
0x55: {  	_ =	shalt  }
0x56: {  	_ =	shalt  }
0x57: {  	_ =	shalt  }
0x58: {  	_ =	shalt  }
0x59: {  	_ =	shalt  }
0x5a: {  	_ =	shalt  }
0x5b: {  	_ =	shalt  }
0x5c: {  	_ =	shalt  }
0x5d: {  	_ =	shalt  }
0x5e: {  	_ =	shalt  }
0x5f: {  	_ =	shalt  }
0x60: {  	_ =	shalt  }
0x61: {  	_ =	shalt  }
0x62: {  	_ =	shalt  }
0x63: {  	_ =	shalt  }
0x64: {  	_ =	shalt  }
0x65: {  	_ =	shalt  }
0x66: {  	_ =	shalt  }
0x67: {  	_ =	shalt  }
0x68: {  	_ =	shalt  }
0x69: {  	_ =	shalt  }
0x6a: {  	_ =	shalt  }
0x6b: {  	_ =	shalt  }
0x6c: {  	_ =	shalt  }
0x6d: {  	_ =	shalt  }
0x6e: {  	_ =	shalt  }
0x6f: {  	_ =	shalt  }
0x70: {  	_ =	shalt  }
0x71: {  	_ =	shalt  }
0x72: {  	_ =	shalt  }
0x73: {  	_ =	shalt  }
0x74: {  	_ =	shalt  }
0x75: {  	_ =	shalt  }
0x76: {  	_ =	shalt  }
0x77: {  	_ =	shalt  }
0x78: {  	_ =	shalt  }
0x79: {  	_ =	shalt  }
0x7a: {  	_ =	shalt  }
0x7b: {  	_ =	shalt  }
0x7c: {  	_ =	shalt  }
0x7d: {  	_ =	shalt  }
0x7e: {  	_ =	shalt  }
0x7f: {  	_ =	shalt  }
0x80: {  	_ =	shalt  }
0x81: {  	_ =	shalt  }
0x82: {  	_ =	shalt  }
0x83: {  	_ =	shalt  }
0x84: {  	_ =	shalt  }
0x85: {  	_ =	shalt  }
0x86: {  	_ =	shalt  }
0x87: {  	_ =	shalt  }
.Lfunc_end0:
.L_simem_size_0:
called_computation_lowered:
.L_overlay_start_0:
0x88: {  	s2 =	sld [smem:$0x3FD9]  }
0x89: {  	s3 =	sld [smem:$0x3FFE];
	_ =	sdelay $0x1  }
0x8a: {  	s1 =	srdreg.scid  }
0x8b: {  	s0 =	sand.u32 $0x1, s1  }
0x8c: {  	s16 =	sshll.u32 s0, $0xA;
	s2 =	sadd.s32 s3, s2  }
0x8d: {  	s2 =	sadd.s32 s2, s16  }
0x8e: {  	[smem:$0x3FB8] =	sst s2  }
0x8f: {  	_ = 	snop  }
0x90: {  	(tm) =	ssettm $0x1  }
0x91: {  	s17 =	sld [smem:$0x3FFB];
	_ =	sdelay $0x3  }
0x92: {  	_ =	strace s17  }
0x93: {  	s2 =	sld [smem:$0x3FFC];
	_ =	sdelay $0x3  }
0x94: {  	_ =	strace s2  }
0x95: {  	s2 =	sld [smem:$0x3FFD];
	_ =	sdelay $0x3  }
0x96: {  	_ =	strace s2  }
0x97: {  	_ =	strace $0x8FFFFFFF  }
0x98: {  	s18 =	sld [smem:$0x3FDB];
	_ =	sdelay $0x1  }
0x99: {  	s19 =	simm.s32 $_scs_section_size  }
0x9a: {  	s4 =	simm.s32 $_size__tile_overlayer_lowered;
	s5 =	simm.s32 $_tile_overlayer_lowered  }
0x9b: {  	s22 =	simm.s32 $0x1BFF;
	s21 =	sshll.u32 s5, $0x1;
	s2 =	sadd.s32 s19, s18  }
0x9c: {  	s6 =	simm.s32 $0x0;
	s20 =	sshll.u32 s4, $0x1;
	s4 =	sadd.s32 s21, s2  }
0x9d: {  	[timem:s6], [sflag:s22] =	dma.local [hbm:s4], s20  }
0x9e: {  	_ =	swait.ge [sflag:s22], s20  }
0x9f: {  	s3 =	ssub.s32 $0x0, s20;
	[sflag:s22] =	ssyncset.done $0x0  }
0xa0: {  	[sflag:s22] =	ssyncadd.s32 s3;
	_ =	sdelay $0x1  }
0xa1: {  	s23 =	simm.s32 $0x1B8B  }
0xa2: {  	_ =	swait.ge [sflag:s23], $0x1  }
0xa3: {  	[sflag:s23] =	ssyncset.done $0x0  }
0xa4: {  	s25 =	simm.s32 $0x1B8E;
	s24 =	sld [smem:$0x3FFE];
	[sflag:s23] =	ssyncadd.s32 $0xFFFFFFFF  }
0xa5: {  	s26 =	simm.s32 $execute0_lowered;
	[smem:$0x3FD2] =	sst s25  }
0xa6: {  	s4 =	sshll.u32 s26, $0x1;
	_ =	strace $0x80000046;
	[dreg:$0x1] =	wrdreg $0xFFFFFFFF  }
0xa7: {  	s28 =	simm.s32 $_size_execute0_lowered;
	s2 =	sadd.s32 s2, s4;
	[dreg:$0x0] =	wrdreg $0x0  }
0xa8: {  	s4 =	sshll.u32 s28, $0x1;
	[dreg:$0x2] =	wrdreg s2  }
0xa9: {  	[dreg:$0x3] =	wrdreg s4  }
0xaa: {  	[dreg:$0x4] =	wrdreg $0xC0  }
0xab: {  	_ =	task [dreg:s6], $0x5FFFF  }
0xac: {  	[dreg:$0x1] =	wrdreg $0xFFFFFFFF  }
0xad: {  	[dreg:$0x0] =	wrdreg $0x60  }
0xae: {  	[dreg:$0x2] =	wrdreg s24  }
0xaf: {  	[dreg:$0x3] =	wrdreg $0xA0000  }
0xb0: {  	[dreg:$0x4] =	wrdreg $0x9  }
0xb1: {  	_ =	task.clear_ibuf [dreg:s6], $0x5FFFF;
	_ =	strace $0x90000046  }
0xb2: {  	s29 =	simm.s32 $0x9;
	_ =	strace $0x80000048  }
0xb3: {  	_ =	swait.ge [sflag:s29], $0x1  }
0xb4: {  	[sflag:s29] =	ssyncadd.s32 $0xFFFFFFFF  }
0xb5: {  	_ =	strace $0x90000048  }
0xb6: {  	_ =	sfence  }
0xb7: {  	s30 =	sld [smem:$0x0];
	_ =	sdelay $0x2  }
0xb8: {  	s31 =	sshll.u32 s1, $0xD;
	s1 =	sshrl.u32 s1, $0x2  }
0xb9: {  	s3 =	sand.u32 $0x4000, s31;
	s1 =	sadd.s32 s1, s30  }
0xba: {  	s0 =	sor.u32 s3, s0;
	s1 =	sshll.u32 s1, $0x11  }
0xbb: {  	s0 =	sor.u32 s1, s0  }
0xbc: {  	s0 =	sadd.s32 $0x8F2B, s0  }
0xbd: {  	[sflag:s0] =	ssyncadd.remote.s32 $0x1  }
0xbe: {  	_ =	sfence.sel $0xFFFF  }
0xbf: {  	[dreg:$0x0] =	wrdreg $0xFFFFFFFF;
	(pc) =	sbr.abs _section_cstart, $3  }
0xc0: {  	[dreg:$0x1] =	wrdreg $0xFFFFFFFF  }
0xc1: {  	_ =	task.clear_ibuf [dreg:s6], $0x2FFFF;
	_ =	strace $0x9FFFFFFF  }
0xc2: {  	(tm) =	ssettm $0x7FFFFFFF  }
0xc3: {  	_ =	shalt  }
tec
execute0_lowered:
.L_overlay_start_1:
0x0: {  	(tag) =	ssettag $0x1  }
0x1: {  	s6 =	rddreg [dreg:$0x0]  }
0x2: {  	s0 =	srdreg.scid;
	s2 =	rddreg [dreg:$0x1];
	s3 =	simm.s32 $0x0  }
0x3: {  	s13 =	simm.s32 $0x2800;
	s14 =	simm.s32 $0x80;
	s15 =	simm.s32 $0x5000  }
0x4: {  	s16 =	simm.s32 $0x7800;
	s17 =	simm.s32 $0x1;
	s18 =	simm.s32 $0x2  }
0x5: {  	s19 =	simm.s32 $0x4F00;
	s20 =	simm.s32 $0x4F80;
	s21 =	simm.s32 $0x0  }
0x6: {  	s5 =	sand.u32 $0x1, s0;
	s0 =	stileid.u32;
	[smem:$0x7FF] =	sst s3  }
0x7: {  	s4 =	sadd.s32 $0x16000, s6;
	s1 =	sshll.u32 s5, $0x4;
	s8 =	smul.u32 $0xC580, s0  }
0x8: {  	s9 =	smul.u32 $0xC5800, s5;
	s5 =	ssub.s32 $0x2, s5;
	s1 =	sor.u32 s0, s1  }
0x9: {  	s31 =	sshll.u32 s0, $0x6;
	s11 =	sshrl.u32 s5, $0x1;
	s7 =	smul.u32 $0x500, s1  }
0xa: {  	s1 =	rddreg [dreg:$0x2];
	_ =	strace $0x80000047;
	s30 =	sshrl.u32 s8, $0x3  }
0xb: {  	s9 =	sadd.s32 s8, s9;
	s11 =	ssub.s32 s5, s11;
	s12 =	sadd.s32 s8, s2  }
0xc: {  	s9 =	sshrl.u32 s9, $0x3;
	s10 =	sadd.s32 s7, s6;
	s7 =	sadd.s32 s30, s6  }
0xd: {  	s9 =	sadd.s32 s9, s6;
	s6 =	sor.u32 $0x1C03, s31;
	s5 =	sadd.s32 $0x2EC00, s7  }
0xe: {  	s7 =	sadd.s32 $0xC000, s10;
	s8 =	sadd.s32 $0x2000, s10;
	s9 =	sadd.s32 $0x47800, s9  }
0xf: {  	s10 =	smax.u32 s11, $0x1;
	s11 =	sshrl.u32 s12, $0x3;
	s12 =	simm.s32 $0x3  }
.LBB2_1:
0x10: {  	[spmem:s11], [sflag:s6] =	dma.local [hbm:s5], $0x18B0  }
0x11: {  	_ =	swait.ge [sflag:s12], $0x18B0  }
0x12: {  	[sflag:s12] =	ssyncset.done $0x0  }
0x13: {  	[sflag:s12] =	ssyncadd.s32 $0xFFFFE750  }
0x14: {  	[tilespmem:s3], [sflag:$0x3] =	stream.linear.gather [hbm4b:s7+s3], $0x2800, $0x38;
	[tilespmem:$0x16580] =	vst v63  }
0x15: {  	_ =	swait.ge [sflag:s12], $0x2800  }
0x16: {  	[sflag:s12] =	ssyncset.done $0x0  }
0x17: {  	[sflag:s12] =	ssyncadd.s32 $0xFFFFD800  }
0x18: {  	[tilespmem:s13], [sflag:$0x3] =	stream.linear.gather [hbm4b:s8+s3], $0x2800, $0x38;
	[tilespmem:$0x16580] =	vst v63  }
0x19: {  	_ =	swait.ge [sflag:s12], $0x2800  }
0x1a: {  	[sflag:s12] =	ssyncset.done $0x0  }
0x1b: {  	[sflag:s12] =	ssyncadd.s32 $0xFFFFD800  }
0x1c: {  	[bflag:$0x0] =	sbarrier.arrive $0xFFFF  }
0x1d: {  	[tilespmem:s15], [sflag:$0x1] =	stream.indirect.gather [hbm4b:s4+s14], $0x50, s3, s14, $0xb8;
	[tilespmem:$0x16580] =	vst v63  }
0x1e: {  	_ = 	snop  }
0x1f: {  	[tilespmem:s16], [sflag:$0x2] =	stream.indirect.gather [hbm4b:s4+s14], $0x50, s14, s14, $0xb8;
	[tilespmem:$0x16580] =	vst v63  }
0x20: {  	_ =	swait.ge [sflag:s17], $0x2800  }
0x21: {  	[sflag:s17] =	ssyncset.done $0x0  }
0x22: {  	s22 =	simm.s32 $0x2800;
	[sflag:s17] =	ssyncadd.s32 $0xFFFFD800  }
0x23: {  	[spmem:s2] =	stream.indirect.scatter.add.f32 [tilespmem:s15], [sflag:$0x3], $0x50, s22, s14, $0xb8;
	[tilespmem:$0x16580] =	vst v63  }
0x24: {  	_ =	swait.ge [sflag:s12], $0x2800  }
0x25: {  	[sflag:s12] =	ssyncset.done $0x0  }
0x26: {  	s30 =	simm.s32 $0x100;
	[sflag:s12] =	ssyncadd.s32 $0xFFFFD800  }
0x27: {  	[tilespmem:s15], [sflag:$0x1] =	stream.indirect.gather [hbm4b:s4+s14], $0x50, s30, s14, $0xb8;
	[tilespmem:$0x16580] =	vst v63  }
0x28: {  	_ =	swait.ge [sflag:s18], $0x2800  }
0x29: {  	[sflag:s18] =	ssyncset.done $0x0  }
0x2a: {  	s31 =	simm.s32 $0x2880;
	[sflag:s18] =	ssyncadd.s32 $0xFFFFD800  }
0x2b: {  	[spmem:s2] =	stream.indirect.scatter.add.f32 [tilespmem:s16], [sflag:$0x3], $0x50, s31, s14, $0xb8;
	[tilespmem:$0x16580] =	vst v63  }
0x2c: {  	_ =	swait.ge [sflag:s12], $0x2800  }
0x2d: {  	[sflag:s12] =	ssyncset.done $0x0  }
0x2e: {  	s23 =	simm.s32 $0x180;
	s22 =	simm.s32 $0x400;
	[sflag:s12] =	ssyncadd.s32 $0xFFFFD800  }
.LBB2_2:
0x2f: {  	[tilespmem:s16], [sflag:$0x2] =	stream.indirect.gather [hbm4b:s4+s14], $0x50, s23, s14, $0xb8;
	[tilespmem:$0x16580] =	vst v63  }
0x30: {  	s23 =	smov.u32 s22  }
0x31: {  	p0 =	sne.s32 s22, $0x9800;
	s22 =	sadd.s32 $0x400, s22;
	_ =	swait.ge [sflag:s17], $0x2800  }
0x32: {  	s23 =	sshra.s32 s23, $0x2;
	[sflag:s17] =	ssyncset.done $0x0  }
0x33: {  	s24 =	sadd.s32 $0x2800, s23;
	[sflag:s17] =	ssyncadd.s32 $0xFFFFD800  }
0x34: {  	[spmem:s2] =	stream.indirect.scatter.add.f32 [tilespmem:s15], [sflag:$0x3], $0x50, s24, s14, $0xb8;
	[tilespmem:$0x16580] =	vst v63  }
0x35: {  	_ =	swait.ge [sflag:s12], $0x2800  }
0x36: {  	[sflag:s12] =	ssyncset.done $0x0  }
0x37: {  	s24 =	sadd.s32 $0x100, s23;
	[sflag:s12] =	ssyncadd.s32 $0xFFFFD800  }
0x38: {  	[tilespmem:s15], [sflag:$0x1] =	stream.indirect.gather [hbm4b:s4+s14], $0x50, s24, s14, $0xb8;
	[tilespmem:$0x16580] =	vst v63  }
0x39: {  	_ =	swait.ge [sflag:s18], $0x2800  }
0x3a: {  	[sflag:s18] =	ssyncset.done $0x0  }
.Ltmp0:
0x3b: {  	s24 =	sadd.s32 $0x2880, s23;
	[sflag:s18] =	ssyncadd.s32 $0xFFFFD800;
	(pc) =	sbr.rel @p0 .LBB2_2-.Ltmp0, $4  }
0x3c: {  	[spmem:s2] =	stream.indirect.scatter.add.f32 [tilespmem:s16], [sflag:$0x3], $0x50, s24, s14, $0xb8;
	[tilespmem:$0x16580] =	vst v63  }
0x3d: {  	_ =	swait.ge [sflag:s12], $0x2800  }
0x3e: {  	[sflag:s12] =	ssyncset.done $0x0  }
0x3f: {  	s23 =	sadd.s32 $0x180, s23;
	[sflag:s12] =	ssyncadd.s32 $0xFFFFD800  }
0x40: {  	[tilespmem:s16], [sflag:$0x2] =	stream.indirect.gather [hbm4b:s4+s14], $0x50, s23, s14, $0xb8;
	[tilespmem:$0x16580] =	vst v63  }
0x41: {  	_ =	swait.ge [sflag:s17], $0x2800  }
0x42: {  	[sflag:s17] =	ssyncset.done $0x0  }
0x43: {  	[sflag:s17] =	ssyncadd.s32 $0xFFFFD800  }
0x44: {  	[spmem:s2] =	stream.indirect.scatter.add.f32 [tilespmem:s15], [sflag:$0x3], $0x50, s19, s14, $0xb8;
	[tilespmem:$0x16580] =	vst v63  }
0x45: {  	_ =	swait.ge [sflag:s12], $0x2800  }
0x46: {  	[sflag:s12] =	ssyncset.done $0x0  }
0x47: {  	[sflag:s12] =	ssyncadd.s32 $0xFFFFD800  }
0x48: {  	_ =	swait.ge [sflag:s18], $0x2800  }
0x49: {  	[sflag:s18] =	ssyncset.done $0x0  }
0x4a: {  	[sflag:s18] =	ssyncadd.s32 $0xFFFFD800  }
0x4b: {  	[spmem:s2] =	stream.indirect.scatter.add.f32 [tilespmem:s16], [sflag:$0x3], $0x50, s20, s14, $0xb8;
	[tilespmem:$0x16580] =	vst v63  }
0x4c: {  	_ =	swait.ge [sflag:s12], $0x2800  }
0x4d: {  	s21 =	sadd.s32 $0x1, s21;
	[sflag:s12] =	ssyncset.done $0x0  }
0x4e: {  	p0 =	sne.s32 s21, s10;
	[sflag:s12] =	ssyncadd.s32 $0xFFFFD800  }
.Ltmp1:
0x4f: {  	[bflag:$0x0] =	sbarrier.arrive $0xFFFF;
	(pc) =	sbr.rel @p0 .LBB2_1-.Ltmp1, $4  }
0x50: {  	[hbm:s9], [sflag:s6] =	dma.local [spmem:s11], $0x18B0  }
0x51: {  	_ =	swait.ge [sflag:s12], $0x18B0  }
0x52: {  	[sflag:s12] =	ssyncset.done $0x0  }
0x53: {  	[sflag:s12] =	ssyncadd.s32 $0xFFFFE750  }
0x54: {  	_ =	sfence.sel $0x180000  }
0x55: {  	[bflag:$0x0] =	sbarrier.arrive $0xFFFF  }
0x56: {  	p0 =	sne.s32 s0, $0x0;
	_ =	strace $0x90000047  }
0x57: {  	s0 =	sadd.s32 @!p0 $0x100000, s1;
	[bflag:$0x2] =	sbarrier.arrive $0xFFFF  }
0x58: {  	[sflag:s0] =	ssyncadd.tile.s32 @!p0 $0x1;
	_ =	shalt  }
.Lfunc_end2:
_tile_overlayer_lowered:
.L_overlay_start_2:
0x59: {  	(tag) =	ssettag $0x2  }
0x5a: {  	s0 =	rddreg [dreg:$0x0];
	s2 =	stileid.u32  }
0x5b: {  	s1 =	rddreg [dreg:$0x1];
	p0 =	sne.s32 s2, $0x0  }
0x5c: {  	s3 =	rddreg [dreg:$0x2];
	[bflag:$0x3] =	sbarrier.arrive $0xFFFF;
	s2 =	simm.s32 @!p0 $0x1C03  }
0x5d: {  	[timem:s3], [sflag:s2] =	dma.local @!p0 [hbm:s0], s1  }
0x5e: {  	s0 =	simm.s32 @!p0 $0x3  }
0x5f: {  	_ =	swait.ge @!p0 [sflag:s0], s1  }
0x60: {  	s1 =	ssub.s32 @!p0 $0x0, s1;
	[sflag:s0] =	ssyncset.done @!p0 $0x0  }
0x61: {  	[sflag:s0] =	ssyncadd.s32 @!p0 s1  }
0x62: {  	[bflag:$0x3] =	sbarrier.arrive $0xFFFF  }
0x63: {  	_ =	shalt  }

</sc_bundles>
